<compile_context>
chip_gen: v7x
topology: tpu7x:2x2x1
jax: 0.10.2.dev20260603
libtpu: 0.0.44.dev20260713+nightly
codegen_flags: <defaults>
</compile_context>

<pallas_src>
import functools

import jax
import jax.numpy as jnp
from jax import lax
from jax.experimental import pallas as pl
from jax.experimental.pallas import tpu as pltpu
from jax.experimental.pallas import tpu_sc as plsc

N = 10000
NP = 10240
D = 128
H = 128
EPS = 1e-5

NC = 2
NS = 16
CH = 128
NROW = 2560
EPAD = NROW * CH
RT = NP // NS

_F32 = jnp.float32


@functools.lru_cache(maxsize=1)
def _sc_mesh():
    return plsc.VectorSubcoreMesh(core_axis_name="c", subcore_axis_name="s",
                                  num_cores=NC, num_subcores=NS)



def _deg_body(dst_hbm, zeros_hbm, ones_hbm, deg_out, acc_sh, idx_d, ones_v):
    c = lax.axis_index("c")
    s = lax.axis_index("s")
    nch = NROW // (NC * NS)
    base = (c * NS + s) * nch
    pltpu.sync_copy(zeros_hbm.at[pl.ds(s * RT, RT)],
                    acc_sh.at[pl.ds(s * RT, RT)])
    pltpu.sync_copy(dst_hbm.at[pl.ds(base, nch)], idx_d)
    pltpu.sync_copy(ones_hbm, ones_v)
    plsc.subcore_barrier()

    @pl.loop(0, nch)
    def _(j):
        pltpu.sync_copy(ones_v, acc_sh.at[idx_d.at[j]], add=True)

    plsc.subcore_barrier()
    pltpu.sync_copy(acc_sh.at[pl.ds(s * RT, RT)],
                    deg_out.at[c, pl.ds(s * RT, RT)])


def _deg_call(dstr, zerosH, onesH):
    nch = NROW // (NC * NS)
    return pl.kernel(
        _deg_body,
        out_type=jax.ShapeDtypeStruct((NC, NP, H), _F32),
        mesh=_sc_mesh(),
        scratch_types=[
            pltpu.VMEM_SHARED((NP, H), _F32),
            pltpu.VMEM((nch, CH), jnp.int32),
            pltpu.VMEM((CH, H), _F32),
        ],
    )(dstr, zerosH, onesH)


def _agg_body(u_hbm, src_hbm, dst_hbm, p_out, acc_sh, idx_s, idx_d, rows_v,
              sem):
    c = lax.axis_index("c")
    s = lax.axis_index("s")
    nch = NROW // (NC * NS)
    base = (c * NS + s) * nch
    pltpu.sync_copy(u_hbm.at[pl.ds(s * RT, RT)],
                    acc_sh.at[pl.ds(s * RT, RT)])
    pltpu.sync_copy(src_hbm.at[pl.ds(base, nch)], idx_s)
    pltpu.sync_copy(dst_hbm.at[pl.ds(base, nch)], idx_d)
    plsc.subcore_barrier()

    @pl.loop(0, nch)
    def _(j):
        pltpu.async_copy(u_hbm.at[idx_s.at[j]], rows_v, sem).wait()
        pltpu.sync_copy(rows_v, acc_sh.at[idx_d.at[j]], add=True)

    plsc.subcore_barrier()
    pltpu.sync_copy(acc_sh.at[pl.ds(s * RT, RT)],
                    p_out.at[c, pl.ds(s * RT, RT)])


def _agg_call(u, srcr, dstr):
    nch = NROW // (NC * NS)
    return pl.kernel(
        _agg_body,
        out_type=jax.ShapeDtypeStruct((NC, NP, H), _F32),
        mesh=_sc_mesh(),
        scratch_types=[
            pltpu.VMEM_SHARED((NP, H), _F32),
            pltpu.VMEM((nch, CH), jnp.int32),
            pltpu.VMEM((nch, CH), jnp.int32),
            pltpu.VMEM((CH, H), _F32),
            pltpu.SemaphoreType.DMA,
        ],
    )(u, srcr, dstr)



BR = 1024
NB = NP // BR


def _dinv_of(degp_blk):
    deg = degp_blk[0] + degp_blk[1] + 1.0
    return lax.rsqrt(deg)


def _pre_body(x_ref, w_ref, degp_ref, u_ref):
    dinv = _dinv_of(degp_ref[...])
    u_ref[...] = jnp.dot(x_ref[...], w_ref[...],
                         preferred_element_type=_F32) * dinv


def _pre_call(x, W, degp):
    return pl.pallas_call(
        _pre_body,
        grid=(NB,),
        in_specs=[
            pl.BlockSpec((BR, D), lambda r: (r, 0)),
            pl.BlockSpec((D, H), lambda r: (0, 0)),
            pl.BlockSpec((NC, BR, 1), lambda r: (0, r, 0)),
        ],
        out_specs=pl.BlockSpec((BR, H), lambda r: (r, 0)),
        out_shape=jax.ShapeDtypeStruct((NP, H), _F32),
    )(x, W, degp)


def _bn_elu(agg, dinv, b, g, be, rm, rv):
    z = agg * dinv + b
    z = (z - rm) * lax.rsqrt(rv + EPS) * g + be
    return jnp.where(z > 0, z, jnp.exp(jnp.minimum(z, 0.0)) - 1.0)


def _mid_body(p_ref, u_ref, degp_ref, b_ref, g_ref, be_ref, rm_ref, rv_ref,
              w_ref, o_ref):
    dinv = _dinv_of(degp_ref[...])
    agg = p_ref[0] + p_ref[1] - u_ref[...]
    y = _bn_elu(agg, dinv, b_ref[...], g_ref[...], be_ref[...], rm_ref[...],
                rv_ref[...])
    o_ref[...] = jnp.dot(y, w_ref[...], preferred_element_type=_F32) * dinv


def _mid_call(p, u, degp, b, g, be, rm, rv, W):
    vec = pl.BlockSpec((1, H), lambda r: (0, 0))
    return pl.pallas_call(
        _mid_body,
        grid=(NB,),
        in_specs=[
            pl.BlockSpec((NC, BR, H), lambda r: (0, r, 0)),
            pl.BlockSpec((BR, H), lambda r: (r, 0)),
            pl.BlockSpec((NC, BR, 1), lambda r: (0, r, 0)),
            vec, vec, vec, vec, vec,
            pl.BlockSpec((D, H), lambda r: (0, 0)),
        ],
        out_specs=pl.BlockSpec((BR, H), lambda r: (r, 0)),
        out_shape=jax.ShapeDtypeStruct((NP, H), _F32),
    )(p, u, degp, b, g, be, rm, rv, W)


def _final_body(p_ref, u_ref, degp_ref, b_ref, g_ref, be_ref, rm_ref, rv_ref,
                out_ref):
    dinv = _dinv_of(degp_ref[...])
    agg = p_ref[0] + p_ref[1] - u_ref[...]
    out_ref[...] = _bn_elu(agg, dinv, b_ref[...], g_ref[...], be_ref[...],
                           rm_ref[...], rv_ref[...])


def _final_call(p, u, degp, b, g, be, rm, rv):
    vec = pl.BlockSpec((1, H), lambda r: (0, 0))
    return pl.pallas_call(
        _final_body,
        grid=(NB,),
        in_specs=[
            pl.BlockSpec((NC, BR, H), lambda r: (0, r, 0)),
            pl.BlockSpec((BR, H), lambda r: (r, 0)),
            pl.BlockSpec((NC, BR, 1), lambda r: (0, r, 0)),
            vec, vec, vec, vec, vec,
        ],
        out_specs=pl.BlockSpec((BR, H), lambda r: (r, 0)),
        out_shape=jax.ShapeDtypeStruct((N, H), _F32),
    )(p, u, degp, b, g, be, rm, rv)



def kernel(x, edge_index, W0, b0, g0, be0, rm0, rv0, W1, b1, g1, be1, rm1,
           rv1, W2, b2, g2, be2, rm2, rv2):
    E = edge_index.shape[1]
    pad = EPAD - E
    src = edge_index[0]
    dst = edge_index[1]
    srcr = jnp.concatenate([src, jnp.zeros((pad,), jnp.int32)]).reshape(
        NROW, CH)
    dstr = jnp.concatenate([dst, jnp.full((pad,), N, jnp.int32)]).reshape(
        NROW, CH)
    zerosH = jnp.zeros((NP, H), _F32)
    onesH = jnp.ones((CH, H), _F32)

    degp = _deg_call(dstr, zerosH, onesH)[:, :, 0:1]

    r2 = lambda v: v.reshape(1, H)
    u = _pre_call(x, W0, degp)
    p = _agg_call(u, srcr, dstr)
    u = _mid_call(p, u, degp, r2(b0), r2(g0), r2(be0), r2(rm0), r2(rv0), W1)
    p = _agg_call(u, srcr, dstr)
    u = _mid_call(p, u, degp, r2(b1), r2(g1), r2(be1), r2(rm1), r2(rv1), W2)
    p = _agg_call(u, srcr, dstr)
    return _final_call(p, u, degp, r2(b2), r2(g2), r2(be2), r2(rm2), r2(rv2))

# --- scband reference (transcript-rebuilt; emitter-appended) ---
"""Pipeline reference for scband-gcnbackbone-23158463660627 (READ-ONLY COPY).

The authoritative reference and input builder live on the scoring server;
editing this copy changes nothing except your own understanding.
"""

import jax, jax.numpy as jnp
import numpy as np

N = 10000
E = 320000
D = 128
H = 128
EPS = 1e-5


def setup_inputs(seed: int = 0) -> dict:
    key = jax.random.key(seed)
    ks = jax.random.split(key, 16)
    inp = {}
    inp['x'] = jax.random.normal(ks[0], (N, D), dtype=jnp.float32)
    inp['edge_index'] = jax.random.randint(ks[1], (2, E), 0, N, dtype=jnp.int32)
    dims = [D, H, H, H]
    for i in range(3):
        fan_in = dims[i]
        inp[f'W{i}'] = jax.random.normal(ks[2 + 4 * i], (dims[i], dims[i + 1]), dtype=jnp.float32) * (1.0 / np.sqrt(fan_in))
        inp[f'b{i}'] = jnp.zeros((dims[i + 1],), dtype=jnp.float32)
        inp[f'g{i}'] = jnp.ones((dims[i + 1],), dtype=jnp.float32)
        inp[f'be{i}'] = jnp.zeros((dims[i + 1],), dtype=jnp.float32)
        inp[f'rm{i}'] = jnp.zeros((dims[i + 1],), dtype=jnp.float32)
        inp[f'rv{i}'] = jnp.ones((dims[i + 1],), dtype=jnp.float32)
    return inp


def _gcn_conv(x, src, dst, W, b):
    # add self loops
    loop = jnp.arange(N, dtype=src.dtype)
    s = jnp.concatenate([src, loop])
    d = jnp.concatenate([dst, loop])
    # symmetric normalization: deg computed on dst with unit edge weights
    deg = jax.ops.segment_sum(jnp.ones(s.shape, dtype=x.dtype), d, num_segments=N)
    dinv = jnp.where(deg > 0, deg ** -0.5, 0.0)
    norm = dinv[s] * dinv[d]
    h = x @ W
    msg = h[s] * norm[:, None]
    out = jax.ops.segment_sum(msg, d, num_segments=N)
    return out + b


def _bn_eval(x, g, be, rm, rv):
    return (x - rm) / jnp.sqrt(rv + EPS) * g + be


def reference(x, edge_index, W0, b0, g0, be0, rm0, rv0, W1, b1, g1, be1, rm1, rv1, W2, b2, g2, be2, rm2, rv2):
    src = edge_index[0]
    dst = edge_index[1]
    params = [(W0, b0, g0, be0, rm0, rv0), (W1, b1, g1, be1, rm1, rv1), (W2, b2, g2, be2, rm2, rv2)]
    h = x
    for (W, b, g, be, rm, rv) in params:
        h = _gcn_conv(h, src, dst, W, b)
        h = _bn_eval(h, g, be, rm, rv)
        h = jax.nn.elu(h)
        # dropout is identity in eval mode
    return h

if __name__ == "__main__":
    import jax
    _d = setup_inputs()
    print(jax.jit(kernel)(*tuple(_d.values())))

</pallas_src>

<mosaic_0001>
#map = affine_map<(d0, d1) -> (0, 0)>
#map1 = affine_map<(d0, d1) -> (0, 0, 0)>
module attributes {stable_mosaic.version = 14 : i64} {
  func.func @_deg_body(%arg0: i32, %arg1: i32, %arg2: memref<2560x128xi32, #tpu.memory_space<hbm>>, %arg3: memref<10240x128xf32, #tpu.memory_space<hbm>>, %arg4: memref<128x128xf32, #tpu.memory_space<hbm>>, %arg5: memref<2x10240x128xf32, #tpu.memory_space<hbm>>, %arg6: memref<10240x128xf32, #tpu.memory_space<vmem_shared>>, %arg7: memref<80x128xi32, #tpu.memory_space<vmem>>, %arg8: memref<128x128xf32, #tpu.memory_space<vmem>>) attributes {dimension_semantics = [#tpu.dimension_semantics<core_parallel>, #tpu.dimension_semantics<subcore_parallel>], iteration_bounds = array<i64: 2, 16>, scalar_prefetch = 0 : i64, scratch_operands = 3 : i64, tpu.core_type = #tpu.core_type<sc_vector_subcore>, window_params = [{transform_indices = #map}, {transform_indices = #map}, {transform_indices = #map}, {transform_indices = #map1}]} {
    %mul3A = arith.constant 16 : i32
    %mul3A_0 = arith.muli %arg0, %mul3A : i32
    %add3A = arith.addi %mul3A_0, %arg1 : i32
    %mul3A_1 = arith.constant 80 : i32
    %mul3A_2 = arith.muli %add3A, %mul3A_1 : i32
    %mul3A_3 = arith.constant 640 : i32
    %mul3A_4 = arith.muli %arg1, %mul3A_3 : i32
    %mul3A_5 = arith.constant 640 : i32
    %mul3A_6 = arith.muli %arg1, %mul3A_5 : i32
    "tpu.region"() ({
      %run_scoped3A = tpu.sem_alloc : memref<!tpu.dma_semaphore, #tpu.memory_space<semaphore_mem>>
      %dma_start3A = arith.constant 0 : i32
      %dma_start3A_16 = tpu.memref_slice %arg6[%mul3A_6, %dma_start3A] : memref<10240x128xf32, #tpu.memory_space<vmem_shared>> -> memref<640x128xf32, #tpu.memory_space<vmem_shared>>
      %dma_start3A_17 = arith.constant 0 : i32
      %dma_start3A_18 = tpu.memref_slice %arg3[%mul3A_4, %dma_start3A_17] : memref<10240x128xf32, #tpu.memory_space<hbm>> -> memref<640x128xf32, #tpu.memory_space<hbm>>
      tpu.enqueue_dma source(%dma_start3A_18 : memref<640x128xf32, #tpu.memory_space<hbm>>) target(%dma_start3A_16 : memref<640x128xf32, #tpu.memory_space<vmem_shared>>) target_semaphore(%run_scoped3A : memref<!tpu.dma_semaphore, #tpu.memory_space<semaphore_mem>>)
      %dma_wait3A = arith.constant 0 : i32
      %dma_wait3A_19 = tpu.memref_slice %arg6[%mul3A_6, %dma_wait3A] : memref<10240x128xf32, #tpu.memory_space<vmem_shared>> -> memref<640x128xf32, #tpu.memory_space<vmem_shared>>
      %dma_wait3A_20 = arith.constant 0 : i32
      %dma_wait3A_21 = tpu.memref_slice %arg3[%mul3A_4, %dma_wait3A_20] : memref<10240x128xf32, #tpu.memory_space<hbm>> -> memref<640x128xf32, #tpu.memory_space<hbm>>
      tpu.wait_dma2 semaphore(%run_scoped3A : memref<!tpu.dma_semaphore, #tpu.memory_space<semaphore_mem>>) src(%dma_wait3A_21 : memref<640x128xf32, #tpu.memory_space<hbm>>) dst(%dma_wait3A_19 : memref<640x128xf32, #tpu.memory_space<vmem_shared>>)
      tpu.yield
    }) : () -> ()
    "tpu.region"() ({
      %run_scoped3A = tpu.sem_alloc : memref<!tpu.dma_semaphore, #tpu.memory_space<semaphore_mem>>
      %dma_start3A = arith.constant 0 : i32
      %dma_start3A_16 = tpu.memref_slice %arg2[%mul3A_2, %dma_start3A] : memref<2560x128xi32, #tpu.memory_space<hbm>> -> memref<80x128xi32, #tpu.memory_space<hbm>>
      %dma_start3A_17 = arith.constant 0 : i32
      %dma_start3A_18 = tpu.memref_slice %arg2[%mul3A_2, %dma_start3A_17] : memref<2560x128xi32, #tpu.memory_space<hbm>> -> memref<80x128xi32, #tpu.memory_space<hbm>>
      tpu.enqueue_dma source(%dma_start3A_18 : memref<80x128xi32, #tpu.memory_space<hbm>>) target(%arg7 : memref<80x128xi32, #tpu.memory_space<vmem>>) target_semaphore(%run_scoped3A : memref<!tpu.dma_semaphore, #tpu.memory_space<semaphore_mem>>)
      %dma_wait3A = arith.constant 0 : i32
      %dma_wait3A_19 = tpu.memref_slice %arg2[%mul3A_2, %dma_wait3A] : memref<2560x128xi32, #tpu.memory_space<hbm>> -> memref<80x128xi32, #tpu.memory_space<hbm>>
      %dma_wait3A_20 = arith.constant 0 : i32
      %dma_wait3A_21 = tpu.memref_slice %arg2[%mul3A_2, %dma_wait3A_20] : memref<2560x128xi32, #tpu.memory_space<hbm>> -> memref<80x128xi32, #tpu.memory_space<hbm>>
      tpu.wait_dma2 semaphore(%run_scoped3A : memref<!tpu.dma_semaphore, #tpu.memory_space<semaphore_mem>>) src(%dma_wait3A_21 : memref<80x128xi32, #tpu.memory_space<hbm>>) dst(%arg7 : memref<80x128xi32, #tpu.memory_space<vmem>>)
      tpu.yield
    }) : () -> ()
    "tpu.region"() ({
      %run_scoped3A = tpu.sem_alloc : memref<!tpu.dma_semaphore, #tpu.memory_space<semaphore_mem>>
      tpu.enqueue_dma source(%arg4 : memref<128x128xf32, #tpu.memory_space<hbm>>) target(%arg8 : memref<128x128xf32, #tpu.memory_space<vmem>>) target_semaphore(%run_scoped3A : memref<!tpu.dma_semaphore, #tpu.memory_space<semaphore_mem>>)
      tpu.wait_dma2 semaphore(%run_scoped3A : memref<!tpu.dma_semaphore, #tpu.memory_space<semaphore_mem>>) src(%arg4 : memref<128x128xf32, #tpu.memory_space<hbm>>) dst(%arg8 : memref<128x128xf32, #tpu.memory_space<vmem>>)
      tpu.yield
    }) : () -> ()
    %barrier3A = arith.constant 0 : index
    tpu.barrier barrier_id(%barrier3A)
    %scan3A = arith.constant 0 : i32
    %scan3A_7 = arith.constant 80 : i32
    %scan3A_8 = arith.addi %scan3A, %scan3A_7 : i32
    %scan3A_9 = arith.constant 1 : i32
    scf.for %scan3A_16 = %scan3A to %scan3A_8 step %scan3A_9  : i32 {
      %mul3A_17 = arith.constant 1 : i32
      %mul3A_18 = arith.muli %scan3A_16, %mul3A_17 : i32
      %add3A_19 = arith.constant 0 : i32
      %add3A_20 = arith.addi %add3A_19, %mul3A_18 : i32
      "tpu.region"() ({
        %run_scoped3A = tpu.sem_alloc : memref<!tpu.dma_semaphore, #tpu.memory_space<semaphore_mem>>
        %dma_start3A = arith.constant 0 : i32
        %dma_start3A_21 = tpu.memref_slice %arg7[%add3A_20, %dma_start3A] : memref<80x128xi32, #tpu.memory_space<vmem>> -> memref<1x128xi32, #tpu.memory_space<vmem>>
        %dma_start3A_22 = tpu.memref_squeeze %dma_start3A_21 : memref<1x128xi32, #tpu.memory_space<vmem>> -> memref<128xi32, #tpu.memory_space<vmem>>
        %dma_start3A_23 = arith.constant 0 : i32
        %dma_start3A_24 = arith.constant 0 : i32
        %dma_start3A_25 = tpu.memref_slice %arg6[%dma_start3A_23, %dma_start3A_24] : memref<10240x128xf32, #tpu.memory_space<vmem_shared>> -> memref<10240x128xf32, #tpu.memory_space<vmem_shared>>
        tpu.enqueue_indirect_dma source(%arg8 : memref<128x128xf32, #tpu.memory_space<vmem>>) target(%dma_start3A_25 : memref<10240x128xf32, #tpu.memory_space<vmem_shared>>) offsets(%dma_start3A_22 : memref<128xi32, #tpu.memory_space<vmem>>) semaphore(%run_scoped3A : memref<!tpu.dma_semaphore, #tpu.memory_space<semaphore_mem>>) {add = true}
        %dma_wait3A = arith.constant 0 : i32
        %dma_wait3A_26 = tpu.memref_slice %arg7[%add3A_20, %dma_wait3A] : memref<80x128xi32, #tpu.memory_space<vmem>> -> memref<1x128xi32, #tpu.memory_space<vmem>>
        %dma_wait3A_27 = tpu.memref_squeeze %dma_wait3A_26 : memref<1x128xi32, #tpu.memory_space<vmem>> -> memref<128xi32, #tpu.memory_space<vmem>>
        %dma_wait3A_28 = arith.constant 0 : i32
        %dma_wait3A_29 = arith.constant 0 : i32
        %dma_wait3A_30 = tpu.memref_slice %arg6[%dma_wait3A_28, %dma_wait3A_29] : memref<10240x128xf32, #tpu.memory_space<vmem_shared>> -> memref<10240x128xf32, #tpu.memory_space<vmem_shared>>
        tpu.wait_indirect_dma semaphore(%run_scoped3A : memref<!tpu.dma_semaphore, #tpu.memory_space<semaphore_mem>>) src(%arg8 : memref<128x128xf32, #tpu.memory_space<vmem>>) dst(%dma_wait3A_30 : memref<10240x128xf32, #tpu.memory_space<vmem_shared>>)
        tpu.yield
      }) : () -> ()
    }
    %scan3A_10 = arith.constant 80 : i32
    %barrier3A_11 = arith.constant 0 : index
    tpu.barrier barrier_id(%barrier3A_11)
    %mul3A_12 = arith.constant 640 : i32
    %mul3A_13 = arith.muli %arg1, %mul3A_12 : i32
    %mul3A_14 = arith.constant 640 : i32
    %mul3A_15 = arith.muli %arg1, %mul3A_14 : i32
    "tpu.region"() ({
      %run_scoped3A = tpu.sem_alloc : memref<!tpu.dma_semaphore, #tpu.memory_space<semaphore_mem>>
      %dma_start3A = arith.constant 0 : i32
      %dma_start3A_16 = tpu.memref_slice %arg5[%arg0, %mul3A_15, %dma_start3A] : memref<2x10240x128xf32, #tpu.memory_space<hbm>> -> memref<1x640x128xf32, #tpu.memory_space<hbm>>
      %dma_start3A_17 = tpu.memref_squeeze %dma_start3A_16 : memref<1x640x128xf32, #tpu.memory_space<hbm>> -> memref<640x128xf32, #tpu.memory_space<hbm>>
      %dma_start3A_18 = arith.constant 0 : i32
      %dma_start3A_19 = tpu.memref_slice %arg6[%mul3A_13, %dma_start3A_18] : memref<10240x128xf32, #tpu.memory_space<vmem_shared>> -> memref<640x128xf32, #tpu.memory_space<vmem_shared>>
      tpu.enqueue_dma source(%dma_start3A_19 : memref<640x128xf32, #tpu.memory_space<vmem_shared>>) target(%dma_start3A_17 : memref<640x128xf32, #tpu.memory_space<hbm>>) target_semaphore(%run_scoped3A : memref<!tpu.dma_semaphore, #tpu.memory_space<semaphore_mem>>)
      %dma_wait3A = arith.constant 0 : i32
      %dma_wait3A_20 = tpu.memref_slice %arg5[%arg0, %mul3A_15, %dma_wait3A] : memref<2x10240x128xf32, #tpu.memory_space<hbm>> -> memref<1x640x128xf32, #tpu.memory_space<hbm>>
      %dma_wait3A_21 = tpu.memref_squeeze %dma_wait3A_20 : memref<1x640x128xf32, #tpu.memory_space<hbm>> -> memref<640x128xf32, #tpu.memory_space<hbm>>
      %dma_wait3A_22 = arith.constant 0 : i32
      %dma_wait3A_23 = tpu.memref_slice %arg6[%mul3A_13, %dma_wait3A_22] : memref<10240x128xf32, #tpu.memory_space<vmem_shared>> -> memref<640x128xf32, #tpu.memory_space<vmem_shared>>
      tpu.wait_dma2 semaphore(%run_scoped3A : memref<!tpu.dma_semaphore, #tpu.memory_space<semaphore_mem>>) src(%dma_wait3A_23 : memref<640x128xf32, #tpu.memory_space<vmem_shared>>) dst(%dma_wait3A_21 : memref<640x128xf32, #tpu.memory_space<hbm>>)
      tpu.yield
    }) : () -> ()
    return
  }
}

#map = affine_map<(d0, d1) -> (0, 0)>
#map1 = affine_map<(d0, d1) -> (0, 0, 0)>
module attributes {stable_mosaic.version = 14 : i64} {
  func.func @_agg_body(%arg0: i32, %arg1: i32, %arg2: memref<10240x128xf32, #tpu.memory_space<hbm>>, %arg3: memref<2560x128xi32, #tpu.memory_space<hbm>>, %arg4: memref<2560x128xi32, #tpu.memory_space<hbm>>, %arg5: memref<2x10240x128xf32, #tpu.memory_space<hbm>>, %arg6: memref<10240x128xf32, #tpu.memory_space<vmem_shared>>, %arg7: memref<80x128xi32, #tpu.memory_space<vmem>>, %arg8: memref<80x128xi32, #tpu.memory_space<vmem>>, %arg9: memref<128x128xf32, #tpu.memory_space<vmem>>, %arg10: memref<!tpu.dma_semaphore, #tpu.memory_space<semaphore_mem>>) attributes {dimension_semantics = [#tpu.dimension_semantics<core_parallel>, #tpu.dimension_semantics<subcore_parallel>], iteration_bounds = array<i64: 2, 16>, scalar_prefetch = 0 : i64, scratch_operands = 5 : i64, tpu.core_type = #tpu.core_type<sc_vector_subcore>, window_params = [{transform_indices = #map}, {transform_indices = #map}, {transform_indices = #map}, {transform_indices = #map1}]} {
    %mul3A = arith.constant 16 : i32
    %mul3A_0 = arith.muli %arg0, %mul3A : i32
    %add3A = arith.addi %mul3A_0, %arg1 : i32
    %mul3A_1 = arith.constant 80 : i32
    %mul3A_2 = arith.muli %add3A, %mul3A_1 : i32
    %mul3A_3 = arith.constant 640 : i32
    %mul3A_4 = arith.muli %arg1, %mul3A_3 : i32
    %mul3A_5 = arith.constant 640 : i32
    %mul3A_6 = arith.muli %arg1, %mul3A_5 : i32
    "tpu.region"() ({
      %run_scoped3A = tpu.sem_alloc : memref<!tpu.dma_semaphore, #tpu.memory_space<semaphore_mem>>
      %dma_start3A = arith.constant 0 : i32
      %dma_start3A_16 = tpu.memref_slice %arg6[%mul3A_6, %dma_start3A] : memref<10240x128xf32, #tpu.memory_space<vmem_shared>> -> memref<640x128xf32, #tpu.memory_space<vmem_shared>>
      %dma_start3A_17 = arith.constant 0 : i32
      %dma_start3A_18 = tpu.memref_slice %arg2[%mul3A_4, %dma_start3A_17] : memref<10240x128xf32, #tpu.memory_space<hbm>> -> memref<640x128xf32, #tpu.memory_space<hbm>>
      tpu.enqueue_dma source(%dma_start3A_18 : memref<640x128xf32, #tpu.memory_space<hbm>>) target(%dma_start3A_16 : memref<640x128xf32, #tpu.memory_space<vmem_shared>>) target_semaphore(%run_scoped3A : memref<!tpu.dma_semaphore, #tpu.memory_space<semaphore_mem>>)
      %dma_wait3A = arith.constant 0 : i32
      %dma_wait3A_19 = tpu.memref_slice %arg6[%mul3A_6, %dma_wait3A] : memref<10240x128xf32, #tpu.memory_space<vmem_shared>> -> memref<640x128xf32, #tpu.memory_space<vmem_shared>>
      %dma_wait3A_20 = arith.constant 0 : i32
      %dma_wait3A_21 = tpu.memref_slice %arg2[%mul3A_4, %dma_wait3A_20] : memref<10240x128xf32, #tpu.memory_space<hbm>> -> memref<640x128xf32, #tpu.memory_space<hbm>>
      tpu.wait_dma2 semaphore(%run_scoped3A : memref<!tpu.dma_semaphore, #tpu.memory_space<semaphore_mem>>) src(%dma_wait3A_21 : memref<640x128xf32, #tpu.memory_space<hbm>>) dst(%dma_wait3A_19 : memref<640x128xf32, #tpu.memory_space<vmem_shared>>)
      tpu.yield
    }) : () -> ()
    "tpu.region"() ({
      %run_scoped3A = tpu.sem_alloc : memref<!tpu.dma_semaphore, #tpu.memory_space<semaphore_mem>>
      %dma_start3A = arith.constant 0 : i32
      %dma_start3A_16 = tpu.memref_slice %arg3[%mul3A_2, %dma_start3A] : memref<2560x128xi32, #tpu.memory_space<hbm>> -> memref<80x128xi32, #tpu.memory_space<hbm>>
      %dma_start3A_17 = arith.constant 0 : i32
      %dma_start3A_18 = tpu.memref_slice %arg3[%mul3A_2, %dma_start3A_17] : memref<2560x128xi32, #tpu.memory_space<hbm>> -> memref<80x128xi32, #tpu.memory_space<hbm>>
      tpu.enqueue_dma source(%dma_start3A_18 : memref<80x128xi32, #tpu.memory_space<hbm>>) target(%arg7 : memref<80x128xi32, #tpu.memory_space<vmem>>) target_semaphore(%run_scoped3A : memref<!tpu.dma_semaphore, #tpu.memory_space<semaphore_mem>>)
      %dma_wait3A = arith.constant 0 : i32
      %dma_wait3A_19 = tpu.memref_slice %arg3[%mul3A_2, %dma_wait3A] : memref<2560x128xi32, #tpu.memory_space<hbm>> -> memref<80x128xi32, #tpu.memory_space<hbm>>
      %dma_wait3A_20 = arith.constant 0 : i32
      %dma_wait3A_21 = tpu.memref_slice %arg3[%mul3A_2, %dma_wait3A_20] : memref<2560x128xi32, #tpu.memory_space<hbm>> -> memref<80x128xi32, #tpu.memory_space<hbm>>
      tpu.wait_dma2 semaphore(%run_scoped3A : memref<!tpu.dma_semaphore, #tpu.memory_space<semaphore_mem>>) src(%dma_wait3A_21 : memref<80x128xi32, #tpu.memory_space<hbm>>) dst(%arg7 : memref<80x128xi32, #tpu.memory_space<vmem>>)
      tpu.yield
    }) : () -> ()
    "tpu.region"() ({
      %run_scoped3A = tpu.sem_alloc : memref<!tpu.dma_semaphore, #tpu.memory_space<semaphore_mem>>
      %dma_start3A = arith.constant 0 : i32
      %dma_start3A_16 = tpu.memref_slice %arg4[%mul3A_2, %dma_start3A] : memref<2560x128xi32, #tpu.memory_space<hbm>> -> memref<80x128xi32, #tpu.memory_space<hbm>>
      %dma_start3A_17 = arith.constant 0 : i32
      %dma_start3A_18 = tpu.memref_slice %arg4[%mul3A_2, %dma_start3A_17] : memref<2560x128xi32, #tpu.memory_space<hbm>> -> memref<80x128xi32, #tpu.memory_space<hbm>>
      tpu.enqueue_dma source(%dma_start3A_18 : memref<80x128xi32, #tpu.memory_space<hbm>>) target(%arg8 : memref<80x128xi32, #tpu.memory_space<vmem>>) target_semaphore(%run_scoped3A : memref<!tpu.dma_semaphore, #tpu.memory_space<semaphore_mem>>)
      %dma_wait3A = arith.constant 0 : i32
      %dma_wait3A_19 = tpu.memref_slice %arg4[%mul3A_2, %dma_wait3A] : memref<2560x128xi32, #tpu.memory_space<hbm>> -> memref<80x128xi32, #tpu.memory_space<hbm>>
      %dma_wait3A_20 = arith.constant 0 : i32
      %dma_wait3A_21 = tpu.memref_slice %arg4[%mul3A_2, %dma_wait3A_20] : memref<2560x128xi32, #tpu.memory_space<hbm>> -> memref<80x128xi32, #tpu.memory_space<hbm>>
      tpu.wait_dma2 semaphore(%run_scoped3A : memref<!tpu.dma_semaphore, #tpu.memory_space<semaphore_mem>>) src(%dma_wait3A_21 : memref<80x128xi32, #tpu.memory_space<hbm>>) dst(%arg8 : memref<80x128xi32, #tpu.memory_space<vmem>>)
      tpu.yield
    }) : () -> ()
    %barrier3A = arith.constant 0 : index
    tpu.barrier barrier_id(%barrier3A)
    %scan3A = arith.constant 0 : i32
    %scan3A_7 = arith.constant 80 : i32
    %scan3A_8 = arith.addi %scan3A, %scan3A_7 : i32
    %scan3A_9 = arith.constant 1 : i32
    scf.for %scan3A_16 = %scan3A to %scan3A_8 step %scan3A_9  : i32 {
      %mul3A_17 = arith.constant 1 : i32
      %mul3A_18 = arith.muli %scan3A_16, %mul3A_17 : i32
      %add3A_19 = arith.constant 0 : i32
      %add3A_20 = arith.addi %add3A_19, %mul3A_18 : i32
      %dma_start3A = arith.constant 0 : i32
      %dma_start3A_21 = tpu.memref_slice %arg7[%add3A_20, %dma_start3A] : memref<80x128xi32, #tpu.memory_space<vmem>> -> memref<1x128xi32, #tpu.memory_space<vmem>>
      %dma_start3A_22 = tpu.memref_squeeze %dma_start3A_21 : memref<1x128xi32, #tpu.memory_space<vmem>> -> memref<128xi32, #tpu.memory_space<vmem>>
      %dma_start3A_23 = arith.constant 0 : i32
      %dma_start3A_24 = arith.constant 0 : i32
      %dma_start3A_25 = tpu.memref_slice %arg2[%dma_start3A_23, %dma_start3A_24] : memref<10240x128xf32, #tpu.memory_space<hbm>> -> memref<10240x128xf32, #tpu.memory_space<hbm>>
      tpu.enqueue_indirect_dma source(%dma_start3A_25 : memref<10240x128xf32, #tpu.memory_space<hbm>>) target(%arg9 : memref<128x128xf32, #tpu.memory_space<vmem>>) offsets(%dma_start3A_22 : memref<128xi32, #tpu.memory_space<vmem>>) semaphore(%arg10 : memref<!tpu.dma_semaphore, #tpu.memory_space<semaphore_mem>>)
      %dma_wait3A = arith.constant 0 : i32
      %dma_wait3A_26 = tpu.memref_slice %arg7[%add3A_20, %dma_wait3A] : memref<80x128xi32, #tpu.memory_space<vmem>> -> memref<1x128xi32, #tpu.memory_space<vmem>>
      %dma_wait3A_27 = tpu.memref_squeeze %dma_wait3A_26 : memref<1x128xi32, #tpu.memory_space<vmem>> -> memref<128xi32, #tpu.memory_space<vmem>>
      %dma_wait3A_28 = arith.constant 0 : i32
      %dma_wait3A_29 = arith.constant 0 : i32
      %dma_wait3A_30 = tpu.memref_slice %arg2[%dma_wait3A_28, %dma_wait3A_29] : memref<10240x128xf32, #tpu.memory_space<hbm>> -> memref<10240x128xf32, #tpu.memory_space<hbm>>
      tpu.wait_indirect_dma semaphore(%arg10 : memref<!tpu.dma_semaphore, #tpu.memory_space<semaphore_mem>>) src(%dma_wait3A_30 : memref<10240x128xf32, #tpu.memory_space<hbm>>) dst(%arg9 : memref<128x128xf32, #tpu.memory_space<vmem>>)
      "tpu.region"() ({
        %run_scoped3A = tpu.sem_alloc : memref<!tpu.dma_semaphore, #tpu.memory_space<semaphore_mem>>
        %dma_start3A_31 = arith.constant 0 : i32
        %dma_start3A_32 = tpu.memref_slice %arg8[%add3A_20, %dma_start3A_31] : memref<80x128xi32, #tpu.memory_space<vmem>> -> memref<1x128xi32, #tpu.memory_space<vmem>>
        %dma_start3A_33 = tpu.memref_squeeze %dma_start3A_32 : memref<1x128xi32, #tpu.memory_space<vmem>> -> memref<128xi32, #tpu.memory_space<vmem>>
        %dma_start3A_34 = arith.constant 0 : i32
        %dma_start3A_35 = arith.constant 0 : i32
        %dma_start3A_36 = tpu.memref_slice %arg6[%dma_start3A_34, %dma_start3A_35] : memref<10240x128xf32, #tpu.memory_space<vmem_shared>> -> memref<10240x128xf32, #tpu.memory_space<vmem_shared>>
        tpu.enqueue_indirect_dma source(%arg9 : memref<128x128xf32, #tpu.memory_space<vmem>>) target(%dma_start3A_36 : memref<10240x128xf32, #tpu.memory_space<vmem_shared>>) offsets(%dma_start3A_33 : memref<128xi32, #tpu.memory_space<vmem>>) semaphore(%run_scoped3A : memref<!tpu.dma_semaphore, #tpu.memory_space<semaphore_mem>>) {add = true}
        %dma_wait3A_37 = arith.constant 0 : i32
        %dma_wait3A_38 = tpu.memref_slice %arg8[%add3A_20, %dma_wait3A_37] : memref<80x128xi32, #tpu.memory_space<vmem>> -> memref<1x128xi32, #tpu.memory_space<vmem>>
        %dma_wait3A_39 = tpu.memref_squeeze %dma_wait3A_38 : memref<1x128xi32, #tpu.memory_space<vmem>> -> memref<128xi32, #tpu.memory_space<vmem>>
        %dma_wait3A_40 = arith.constant 0 : i32
        %dma_wait3A_41 = arith.constant 0 : i32
        %dma_wait3A_42 = tpu.memref_slice %arg6[%dma_wait3A_40, %dma_wait3A_41] : memref<10240x128xf32, #tpu.memory_space<vmem_shared>> -> memref<10240x128xf32, #tpu.memory_space<vmem_shared>>
        tpu.wait_indirect_dma semaphore(%run_scoped3A : memref<!tpu.dma_semaphore, #tpu.memory_space<semaphore_mem>>) src(%arg9 : memref<128x128xf32, #tpu.memory_space<vmem>>) dst(%dma_wait3A_42 : memref<10240x128xf32, #tpu.memory_space<vmem_shared>>)
        tpu.yield
      }) : () -> ()
    }
    %scan3A_10 = arith.constant 80 : i32
    %barrier3A_11 = arith.constant 0 : index
    tpu.barrier barrier_id(%barrier3A_11)
    %mul3A_12 = arith.constant 640 : i32
    %mul3A_13 = arith.muli %arg1, %mul3A_12 : i32
    %mul3A_14 = arith.constant 640 : i32
    %mul3A_15 = arith.muli %arg1, %mul3A_14 : i32
    "tpu.region"() ({
      %run_scoped3A = tpu.sem_alloc : memref<!tpu.dma_semaphore, #tpu.memory_space<semaphore_mem>>
      %dma_start3A = arith.constant 0 : i32
      %dma_start3A_16 = tpu.memref_slice %arg5[%arg0, %mul3A_15, %dma_start3A] : memref<2x10240x128xf32, #tpu.memory_space<hbm>> -> memref<1x640x128xf32, #tpu.memory_space<hbm>>
      %dma_start3A_17 = tpu.memref_squeeze %dma_start3A_16 : memref<1x640x128xf32, #tpu.memory_space<hbm>> -> memref<640x128xf32, #tpu.memory_space<hbm>>
      %dma_start3A_18 = arith.constant 0 : i32
      %dma_start3A_19 = tpu.memref_slice %arg6[%mul3A_13, %dma_start3A_18] : memref<10240x128xf32, #tpu.memory_space<vmem_shared>> -> memref<640x128xf32, #tpu.memory_space<vmem_shared>>
      tpu.enqueue_dma source(%dma_start3A_19 : memref<640x128xf32, #tpu.memory_space<vmem_shared>>) target(%dma_start3A_17 : memref<640x128xf32, #tpu.memory_space<hbm>>) target_semaphore(%run_scoped3A : memref<!tpu.dma_semaphore, #tpu.memory_space<semaphore_mem>>)
      %dma_wait3A = arith.constant 0 : i32
      %dma_wait3A_20 = tpu.memref_slice %arg5[%arg0, %mul3A_15, %dma_wait3A] : memref<2x10240x128xf32, #tpu.memory_space<hbm>> -> memref<1x640x128xf32, #tpu.memory_space<hbm>>
      %dma_wait3A_21 = tpu.memref_squeeze %dma_wait3A_20 : memref<1x640x128xf32, #tpu.memory_space<hbm>> -> memref<640x128xf32, #tpu.memory_space<hbm>>
      %dma_wait3A_22 = arith.constant 0 : i32
      %dma_wait3A_23 = tpu.memref_slice %arg6[%mul3A_13, %dma_wait3A_22] : memref<10240x128xf32, #tpu.memory_space<vmem_shared>> -> memref<640x128xf32, #tpu.memory_space<vmem_shared>>
      tpu.wait_dma2 semaphore(%run_scoped3A : memref<!tpu.dma_semaphore, #tpu.memory_space<semaphore_mem>>) src(%dma_wait3A_23 : memref<640x128xf32, #tpu.memory_space<vmem_shared>>) dst(%dma_wait3A_21 : memref<640x128xf32, #tpu.memory_space<hbm>>)
      tpu.yield
    }) : () -> ()
    return
  }
}

#map = affine_map<(d0, d1) -> (0, 0)>
#map1 = affine_map<(d0, d1) -> (0, 0, 0)>
module attributes {stable_mosaic.version = 14 : i64} {
  func.func @_agg_body(%arg0: i32, %arg1: i32, %arg2: memref<10240x128xf32, #tpu.memory_space<hbm>>, %arg3: memref<2560x128xi32, #tpu.memory_space<hbm>>, %arg4: memref<2560x128xi32, #tpu.memory_space<hbm>>, %arg5: memref<2x10240x128xf32, #tpu.memory_space<hbm>>, %arg6: memref<10240x128xf32, #tpu.memory_space<vmem_shared>>, %arg7: memref<80x128xi32, #tpu.memory_space<vmem>>, %arg8: memref<80x128xi32, #tpu.memory_space<vmem>>, %arg9: memref<128x128xf32, #tpu.memory_space<vmem>>, %arg10: memref<!tpu.dma_semaphore, #tpu.memory_space<semaphore_mem>>) attributes {dimension_semantics = [#tpu.dimension_semantics<core_parallel>, #tpu.dimension_semantics<subcore_parallel>], iteration_bounds = array<i64: 2, 16>, scalar_prefetch = 0 : i64, scratch_operands = 5 : i64, tpu.core_type = #tpu.core_type<sc_vector_subcore>, window_params = [{transform_indices = #map}, {transform_indices = #map}, {transform_indices = #map}, {transform_indices = #map1}]} {
    %mul3A = arith.constant 16 : i32
    %mul3A_0 = arith.muli %arg0, %mul3A : i32
    %add3A = arith.addi %mul3A_0, %arg1 : i32
    %mul3A_1 = arith.constant 80 : i32
    %mul3A_2 = arith.muli %add3A, %mul3A_1 : i32
    %mul3A_3 = arith.constant 640 : i32
    %mul3A_4 = arith.muli %arg1, %mul3A_3 : i32
    %mul3A_5 = arith.constant 640 : i32
    %mul3A_6 = arith.muli %arg1, %mul3A_5 : i32
    "tpu.region"() ({
      %run_scoped3A = tpu.sem_alloc : memref<!tpu.dma_semaphore, #tpu.memory_space<semaphore_mem>>
      %dma_start3A = arith.constant 0 : i32
      %dma_start3A_16 = tpu.memref_slice %arg6[%mul3A_6, %dma_start3A] : memref<10240x128xf32, #tpu.memory_space<vmem_shared>> -> memref<640x128xf32, #tpu.memory_space<vmem_shared>>
      %dma_start3A_17 = arith.constant 0 : i32
      %dma_start3A_18 = tpu.memref_slice %arg2[%mul3A_4, %dma_start3A_17] : memref<10240x128xf32, #tpu.memory_space<hbm>> -> memref<640x128xf32, #tpu.memory_space<hbm>>
      tpu.enqueue_dma source(%dma_start3A_18 : memref<640x128xf32, #tpu.memory_space<hbm>>) target(%dma_start3A_16 : memref<640x128xf32, #tpu.memory_space<vmem_shared>>) target_semaphore(%run_scoped3A : memref<!tpu.dma_semaphore, #tpu.memory_space<semaphore_mem>>)
      %dma_wait3A = arith.constant 0 : i32
      %dma_wait3A_19 = tpu.memref_slice %arg6[%mul3A_6, %dma_wait3A] : memref<10240x128xf32, #tpu.memory_space<vmem_shared>> -> memref<640x128xf32, #tpu.memory_space<vmem_shared>>
      %dma_wait3A_20 = arith.constant 0 : i32
      %dma_wait3A_21 = tpu.memref_slice %arg2[%mul3A_4, %dma_wait3A_20] : memref<10240x128xf32, #tpu.memory_space<hbm>> -> memref<640x128xf32, #tpu.memory_space<hbm>>
      tpu.wait_dma2 semaphore(%run_scoped3A : memref<!tpu.dma_semaphore, #tpu.memory_space<semaphore_mem>>) src(%dma_wait3A_21 : memref<640x128xf32, #tpu.memory_space<hbm>>) dst(%dma_wait3A_19 : memref<640x128xf32, #tpu.memory_space<vmem_shared>>)
      tpu.yield
    }) : () -> ()
    "tpu.region"() ({
      %run_scoped3A = tpu.sem_alloc : memref<!tpu.dma_semaphore, #tpu.memory_space<semaphore_mem>>
      %dma_start3A = arith.constant 0 : i32
      %dma_start3A_16 = tpu.memref_slice %arg3[%mul3A_2, %dma_start3A] : memref<2560x128xi32, #tpu.memory_space<hbm>> -> memref<80x128xi32, #tpu.memory_space<hbm>>
      %dma_start3A_17 = arith.constant 0 : i32
      %dma_start3A_18 = tpu.memref_slice %arg3[%mul3A_2, %dma_start3A_17] : memref<2560x128xi32, #tpu.memory_space<hbm>> -> memref<80x128xi32, #tpu.memory_space<hbm>>
      tpu.enqueue_dma source(%dma_start3A_18 : memref<80x128xi32, #tpu.memory_space<hbm>>) target(%arg7 : memref<80x128xi32, #tpu.memory_space<vmem>>) target_semaphore(%run_scoped3A : memref<!tpu.dma_semaphore, #tpu.memory_space<semaphore_mem>>)
      %dma_wait3A = arith.constant 0 : i32
      %dma_wait3A_19 = tpu.memref_slice %arg3[%mul3A_2, %dma_wait3A] : memref<2560x128xi32, #tpu.memory_space<hbm>> -> memref<80x128xi32, #tpu.memory_space<hbm>>
      %dma_wait3A_20 = arith.constant 0 : i32
      %dma_wait3A_21 = tpu.memref_slice %arg3[%mul3A_2, %dma_wait3A_20] : memref<2560x128xi32, #tpu.memory_space<hbm>> -> memref<80x128xi32, #tpu.memory_space<hbm>>
      tpu.wait_dma2 semaphore(%run_scoped3A : memref<!tpu.dma_semaphore, #tpu.memory_space<semaphore_mem>>) src(%dma_wait3A_21 : memref<80x128xi32, #tpu.memory_space<hbm>>) dst(%arg7 : memref<80x128xi32, #tpu.memory_space<vmem>>)
      tpu.yield
    }) : () -> ()
    "tpu.region"() ({
      %run_scoped3A = tpu.sem_alloc : memref<!tpu.dma_semaphore, #tpu.memory_space<semaphore_mem>>
      %dma_start3A = arith.constant 0 : i32
      %dma_start3A_16 = tpu.memref_slice %arg4[%mul3A_2, %dma_start3A] : memref<2560x128xi32, #tpu.memory_space<hbm>> -> memref<80x128xi32, #tpu.memory_space<hbm>>
      %dma_start3A_17 = arith.constant 0 : i32
      %dma_start3A_18 = tpu.memref_slice %arg4[%mul3A_2, %dma_start3A_17] : memref<2560x128xi32, #tpu.memory_space<hbm>> -> memref<80x128xi32, #tpu.memory_space<hbm>>
      tpu.enqueue_dma source(%dma_start3A_18 : memref<80x128xi32, #tpu.memory_space<hbm>>) target(%arg8 : memref<80x128xi32, #tpu.memory_space<vmem>>) target_semaphore(%run_scoped3A : memref<!tpu.dma_semaphore, #tpu.memory_space<semaphore_mem>>)
      %dma_wait3A = arith.constant 0 : i32
      %dma_wait3A_19 = tpu.memref_slice %arg4[%mul3A_2, %dma_wait3A] : memref<2560x128xi32, #tpu.memory_space<hbm>> -> memref<80x128xi32, #tpu.memory_space<hbm>>
      %dma_wait3A_20 = arith.constant 0 : i32
      %dma_wait3A_21 = tpu.memref_slice %arg4[%mul3A_2, %dma_wait3A_20] : memref<2560x128xi32, #tpu.memory_space<hbm>> -> memref<80x128xi32, #tpu.memory_space<hbm>>
      tpu.wait_dma2 semaphore(%run_scoped3A : memref<!tpu.dma_semaphore, #tpu.memory_space<semaphore_mem>>) src(%dma_wait3A_21 : memref<80x128xi32, #tpu.memory_space<hbm>>) dst(%arg8 : memref<80x128xi32, #tpu.memory_space<vmem>>)
      tpu.yield
    }) : () -> ()
    %barrier3A = arith.constant 0 : index
    tpu.barrier barrier_id(%barrier3A)
    %scan3A = arith.constant 0 : i32
    %scan3A_7 = arith.constant 80 : i32
    %scan3A_8 = arith.addi %scan3A, %scan3A_7 : i32
    %scan3A_9 = arith.constant 1 : i32
    scf.for %scan3A_16 = %scan3A to %scan3A_8 step %scan3A_9  : i32 {
      %mul3A_17 = arith.constant 1 : i32
      %mul3A_18 = arith.muli %scan3A_16, %mul3A_17 : i32
      %add3A_19 = arith.constant 0 : i32
      %add3A_20 = arith.addi %add3A_19, %mul3A_18 : i32
      %dma_start3A = arith.constant 0 : i32
      %dma_start3A_21 = tpu.memref_slice %arg7[%add3A_20, %dma_start3A] : memref<80x128xi32, #tpu.memory_space<vmem>> -> memref<1x128xi32, #tpu.memory_space<vmem>>
      %dma_start3A_22 = tpu.memref_squeeze %dma_start3A_21 : memref<1x128xi32, #tpu.memory_space<vmem>> -> memref<128xi32, #tpu.memory_space<vmem>>
      %dma_start3A_23 = arith.constant 0 : i32
      %dma_start3A_24 = arith.constant 0 : i32
      %dma_start3A_25 = tpu.memref_slice %arg2[%dma_start3A_23, %dma_start3A_24] : memref<10240x128xf32, #tpu.memory_space<hbm>> -> memref<10240x128xf32, #tpu.memory_space<hbm>>
      tpu.enqueue_indirect_dma source(%dma_start3A_25 : memref<10240x128xf32, #tpu.memory_space<hbm>>) target(%arg9 : memref<128x128xf32, #tpu.memory_space<vmem>>) offsets(%dma_start3A_22 : memref<128xi32, #tpu.memory_space<vmem>>) semaphore(%arg10 : memref<!tpu.dma_semaphore, #tpu.memory_space<semaphore_mem>>)
      %dma_wait3A = arith.constant 0 : i32
      %dma_wait3A_26 = tpu.memref_slice %arg7[%add3A_20, %dma_wait3A] : memref<80x128xi32, #tpu.memory_space<vmem>> -> memref<1x128xi32, #tpu.memory_space<vmem>>
      %dma_wait3A_27 = tpu.memref_squeeze %dma_wait3A_26 : memref<1x128xi32, #tpu.memory_space<vmem>> -> memref<128xi32, #tpu.memory_space<vmem>>
      %dma_wait3A_28 = arith.constant 0 : i32
      %dma_wait3A_29 = arith.constant 0 : i32
      %dma_wait3A_30 = tpu.memref_slice %arg2[%dma_wait3A_28, %dma_wait3A_29] : memref<10240x128xf32, #tpu.memory_space<hbm>> -> memref<10240x128xf32, #tpu.memory_space<hbm>>
      tpu.wait_indirect_dma semaphore(%arg10 : memref<!tpu.dma_semaphore, #tpu.memory_space<semaphore_mem>>) src(%dma_wait3A_30 : memref<10240x128xf32, #tpu.memory_space<hbm>>) dst(%arg9 : memref<128x128xf32, #tpu.memory_space<vmem>>)
      "tpu.region"() ({
        %run_scoped3A = tpu.sem_alloc : memref<!tpu.dma_semaphore, #tpu.memory_space<semaphore_mem>>
        %dma_start3A_31 = arith.constant 0 : i32
        %dma_start3A_32 = tpu.memref_slice %arg8[%add3A_20, %dma_start3A_31] : memref<80x128xi32, #tpu.memory_space<vmem>> -> memref<1x128xi32, #tpu.memory_space<vmem>>
        %dma_start3A_33 = tpu.memref_squeeze %dma_start3A_32 : memref<1x128xi32, #tpu.memory_space<vmem>> -> memref<128xi32, #tpu.memory_space<vmem>>
        %dma_start3A_34 = arith.constant 0 : i32
        %dma_start3A_35 = arith.constant 0 : i32
        %dma_start3A_36 = tpu.memref_slice %arg6[%dma_start3A_34, %dma_start3A_35] : memref<10240x128xf32, #tpu.memory_space<vmem_shared>> -> memref<10240x128xf32, #tpu.memory_space<vmem_shared>>
        tpu.enqueue_indirect_dma source(%arg9 : memref<128x128xf32, #tpu.memory_space<vmem>>) target(%dma_start3A_36 : memref<10240x128xf32, #tpu.memory_space<vmem_shared>>) offsets(%dma_start3A_33 : memref<128xi32, #tpu.memory_space<vmem>>) semaphore(%run_scoped3A : memref<!tpu.dma_semaphore, #tpu.memory_space<semaphore_mem>>) {add = true}
        %dma_wait3A_37 = arith.constant 0 : i32
        %dma_wait3A_38 = tpu.memref_slice %arg8[%add3A_20, %dma_wait3A_37] : memref<80x128xi32, #tpu.memory_space<vmem>> -> memref<1x128xi32, #tpu.memory_space<vmem>>
        %dma_wait3A_39 = tpu.memref_squeeze %dma_wait3A_38 : memref<1x128xi32, #tpu.memory_space<vmem>> -> memref<128xi32, #tpu.memory_space<vmem>>
        %dma_wait3A_40 = arith.constant 0 : i32
        %dma_wait3A_41 = arith.constant 0 : i32
        %dma_wait3A_42 = tpu.memref_slice %arg6[%dma_wait3A_40, %dma_wait3A_41] : memref<10240x128xf32, #tpu.memory_space<vmem_shared>> -> memref<10240x128xf32, #tpu.memory_space<vmem_shared>>
        tpu.wait_indirect_dma semaphore(%run_scoped3A : memref<!tpu.dma_semaphore, #tpu.memory_space<semaphore_mem>>) src(%arg9 : memref<128x128xf32, #tpu.memory_space<vmem>>) dst(%dma_wait3A_42 : memref<10240x128xf32, #tpu.memory_space<vmem_shared>>)
        tpu.yield
      }) : () -> ()
    }
    %scan3A_10 = arith.constant 80 : i32
    %barrier3A_11 = arith.constant 0 : index
    tpu.barrier barrier_id(%barrier3A_11)
    %mul3A_12 = arith.constant 640 : i32
    %mul3A_13 = arith.muli %arg1, %mul3A_12 : i32
    %mul3A_14 = arith.constant 640 : i32
    %mul3A_15 = arith.muli %arg1, %mul3A_14 : i32
    "tpu.region"() ({
      %run_scoped3A = tpu.sem_alloc : memref<!tpu.dma_semaphore, #tpu.memory_space<semaphore_mem>>
      %dma_start3A = arith.constant 0 : i32
      %dma_start3A_16 = tpu.memref_slice %arg5[%arg0, %mul3A_15, %dma_start3A] : memref<2x10240x128xf32, #tpu.memory_space<hbm>> -> memref<1x640x128xf32, #tpu.memory_space<hbm>>
      %dma_start3A_17 = tpu.memref_squeeze %dma_start3A_16 : memref<1x640x128xf32, #tpu.memory_space<hbm>> -> memref<640x128xf32, #tpu.memory_space<hbm>>
      %dma_start3A_18 = arith.constant 0 : i32
      %dma_start3A_19 = tpu.memref_slice %arg6[%mul3A_13, %dma_start3A_18] : memref<10240x128xf32, #tpu.memory_space<vmem_shared>> -> memref<640x128xf32, #tpu.memory_space<vmem_shared>>
      tpu.enqueue_dma source(%dma_start3A_19 : memref<640x128xf32, #tpu.memory_space<vmem_shared>>) target(%dma_start3A_17 : memref<640x128xf32, #tpu.memory_space<hbm>>) target_semaphore(%run_scoped3A : memref<!tpu.dma_semaphore, #tpu.memory_space<semaphore_mem>>)
      %dma_wait3A = arith.constant 0 : i32
      %dma_wait3A_20 = tpu.memref_slice %arg5[%arg0, %mul3A_15, %dma_wait3A] : memref<2x10240x128xf32, #tpu.memory_space<hbm>> -> memref<1x640x128xf32, #tpu.memory_space<hbm>>
      %dma_wait3A_21 = tpu.memref_squeeze %dma_wait3A_20 : memref<1x640x128xf32, #tpu.memory_space<hbm>> -> memref<640x128xf32, #tpu.memory_space<hbm>>
      %dma_wait3A_22 = arith.constant 0 : i32
      %dma_wait3A_23 = tpu.memref_slice %arg6[%mul3A_13, %dma_wait3A_22] : memref<10240x128xf32, #tpu.memory_space<vmem_shared>> -> memref<640x128xf32, #tpu.memory_space<vmem_shared>>
      tpu.wait_dma2 semaphore(%run_scoped3A : memref<!tpu.dma_semaphore, #tpu.memory_space<semaphore_mem>>) src(%dma_wait3A_23 : memref<640x128xf32, #tpu.memory_space<vmem_shared>>) dst(%dma_wait3A_21 : memref<640x128xf32, #tpu.memory_space<hbm>>)
      tpu.yield
    }) : () -> ()
    return
  }
}

#map = affine_map<(d0, d1) -> (0, 0)>
#map1 = affine_map<(d0, d1) -> (0, 0, 0)>
module attributes {stable_mosaic.version = 14 : i64} {
  func.func @_agg_body(%arg0: i32, %arg1: i32, %arg2: memref<10240x128xf32, #tpu.memory_space<hbm>>, %arg3: memref<2560x128xi32, #tpu.memory_space<hbm>>, %arg4: memref<2560x128xi32, #tpu.memory_space<hbm>>, %arg5: memref<2x10240x128xf32, #tpu.memory_space<hbm>>, %arg6: memref<10240x128xf32, #tpu.memory_space<vmem_shared>>, %arg7: memref<80x128xi32, #tpu.memory_space<vmem>>, %arg8: memref<80x128xi32, #tpu.memory_space<vmem>>, %arg9: memref<128x128xf32, #tpu.memory_space<vmem>>, %arg10: memref<!tpu.dma_semaphore, #tpu.memory_space<semaphore_mem>>) attributes {dimension_semantics = [#tpu.dimension_semantics<core_parallel>, #tpu.dimension_semantics<subcore_parallel>], iteration_bounds = array<i64: 2, 16>, scalar_prefetch = 0 : i64, scratch_operands = 5 : i64, tpu.core_type = #tpu.core_type<sc_vector_subcore>, window_params = [{transform_indices = #map}, {transform_indices = #map}, {transform_indices = #map}, {transform_indices = #map1}]} {
    %mul3A = arith.constant 16 : i32
    %mul3A_0 = arith.muli %arg0, %mul3A : i32
    %add3A = arith.addi %mul3A_0, %arg1 : i32
    %mul3A_1 = arith.constant 80 : i32
    %mul3A_2 = arith.muli %add3A, %mul3A_1 : i32
    %mul3A_3 = arith.constant 640 : i32
    %mul3A_4 = arith.muli %arg1, %mul3A_3 : i32
    %mul3A_5 = arith.constant 640 : i32
    %mul3A_6 = arith.muli %arg1, %mul3A_5 : i32
    "tpu.region"() ({
      %run_scoped3A = tpu.sem_alloc : memref<!tpu.dma_semaphore, #tpu.memory_space<semaphore_mem>>
      %dma_start3A = arith.constant 0 : i32
      %dma_start3A_16 = tpu.memref_slice %arg6[%mul3A_6, %dma_start3A] : memref<10240x128xf32, #tpu.memory_space<vmem_shared>> -> memref<640x128xf32, #tpu.memory_space<vmem_shared>>
      %dma_start3A_17 = arith.constant 0 : i32
      %dma_start3A_18 = tpu.memref_slice %arg2[%mul3A_4, %dma_start3A_17] : memref<10240x128xf32, #tpu.memory_space<hbm>> -> memref<640x128xf32, #tpu.memory_space<hbm>>
      tpu.enqueue_dma source(%dma_start3A_18 : memref<640x128xf32, #tpu.memory_space<hbm>>) target(%dma_start3A_16 : memref<640x128xf32, #tpu.memory_space<vmem_shared>>) target_semaphore(%run_scoped3A : memref<!tpu.dma_semaphore, #tpu.memory_space<semaphore_mem>>)
      %dma_wait3A = arith.constant 0 : i32
      %dma_wait3A_19 = tpu.memref_slice %arg6[%mul3A_6, %dma_wait3A] : memref<10240x128xf32, #tpu.memory_space<vmem_shared>> -> memref<640x128xf32, #tpu.memory_space<vmem_shared>>
      %dma_wait3A_20 = arith.constant 0 : i32
      %dma_wait3A_21 = tpu.memref_slice %arg2[%mul3A_4, %dma_wait3A_20] : memref<10240x128xf32, #tpu.memory_space<hbm>> -> memref<640x128xf32, #tpu.memory_space<hbm>>
      tpu.wait_dma2 semaphore(%run_scoped3A : memref<!tpu.dma_semaphore, #tpu.memory_space<semaphore_mem>>) src(%dma_wait3A_21 : memref<640x128xf32, #tpu.memory_space<hbm>>) dst(%dma_wait3A_19 : memref<640x128xf32, #tpu.memory_space<vmem_shared>>)
      tpu.yield
    }) : () -> ()
    "tpu.region"() ({
      %run_scoped3A = tpu.sem_alloc : memref<!tpu.dma_semaphore, #tpu.memory_space<semaphore_mem>>
      %dma_start3A = arith.constant 0 : i32
      %dma_start3A_16 = tpu.memref_slice %arg3[%mul3A_2, %dma_start3A] : memref<2560x128xi32, #tpu.memory_space<hbm>> -> memref<80x128xi32, #tpu.memory_space<hbm>>
      %dma_start3A_17 = arith.constant 0 : i32
      %dma_start3A_18 = tpu.memref_slice %arg3[%mul3A_2, %dma_start3A_17] : memref<2560x128xi32, #tpu.memory_space<hbm>> -> memref<80x128xi32, #tpu.memory_space<hbm>>
      tpu.enqueue_dma source(%dma_start3A_18 : memref<80x128xi32, #tpu.memory_space<hbm>>) target(%arg7 : memref<80x128xi32, #tpu.memory_space<vmem>>) target_semaphore(%run_scoped3A : memref<!tpu.dma_semaphore, #tpu.memory_space<semaphore_mem>>)
      %dma_wait3A = arith.constant 0 : i32
      %dma_wait3A_19 = tpu.memref_slice %arg3[%mul3A_2, %dma_wait3A] : memref<2560x128xi32, #tpu.memory_space<hbm>> -> memref<80x128xi32, #tpu.memory_space<hbm>>
      %dma_wait3A_20 = arith.constant 0 : i32
      %dma_wait3A_21 = tpu.memref_slice %arg3[%mul3A_2, %dma_wait3A_20] : memref<2560x128xi32, #tpu.memory_space<hbm>> -> memref<80x128xi32, #tpu.memory_space<hbm>>
      tpu.wait_dma2 semaphore(%run_scoped3A : memref<!tpu.dma_semaphore, #tpu.memory_space<semaphore_mem>>) src(%dma_wait3A_21 : memref<80x128xi32, #tpu.memory_space<hbm>>) dst(%arg7 : memref<80x128xi32, #tpu.memory_space<vmem>>)
      tpu.yield
    }) : () -> ()
    "tpu.region"() ({
      %run_scoped3A = tpu.sem_alloc : memref<!tpu.dma_semaphore, #tpu.memory_space<semaphore_mem>>
      %dma_start3A = arith.constant 0 : i32
      %dma_start3A_16 = tpu.memref_slice %arg4[%mul3A_2, %dma_start3A] : memref<2560x128xi32, #tpu.memory_space<hbm>> -> memref<80x128xi32, #tpu.memory_space<hbm>>
      %dma_start3A_17 = arith.constant 0 : i32
      %dma_start3A_18 = tpu.memref_slice %arg4[%mul3A_2, %dma_start3A_17] : memref<2560x128xi32, #tpu.memory_space<hbm>> -> memref<80x128xi32, #tpu.memory_space<hbm>>
      tpu.enqueue_dma source(%dma_start3A_18 : memref<80x128xi32, #tpu.memory_space<hbm>>) target(%arg8 : memref<80x128xi32, #tpu.memory_space<vmem>>) target_semaphore(%run_scoped3A : memref<!tpu.dma_semaphore, #tpu.memory_space<semaphore_mem>>)
      %dma_wait3A = arith.constant 0 : i32
      %dma_wait3A_19 = tpu.memref_slice %arg4[%mul3A_2, %dma_wait3A] : memref<2560x128xi32, #tpu.memory_space<hbm>> -> memref<80x128xi32, #tpu.memory_space<hbm>>
      %dma_wait3A_20 = arith.constant 0 : i32
      %dma_wait3A_21 = tpu.memref_slice %arg4[%mul3A_2, %dma_wait3A_20] : memref<2560x128xi32, #tpu.memory_space<hbm>> -> memref<80x128xi32, #tpu.memory_space<hbm>>
      tpu.wait_dma2 semaphore(%run_scoped3A : memref<!tpu.dma_semaphore, #tpu.memory_space<semaphore_mem>>) src(%dma_wait3A_21 : memref<80x128xi32, #tpu.memory_space<hbm>>) dst(%arg8 : memref<80x128xi32, #tpu.memory_space<vmem>>)
      tpu.yield
    }) : () -> ()
    %barrier3A = arith.constant 0 : index
    tpu.barrier barrier_id(%barrier3A)
    %scan3A = arith.constant 0 : i32
    %scan3A_7 = arith.constant 80 : i32
    %scan3A_8 = arith.addi %scan3A, %scan3A_7 : i32
    %scan3A_9 = arith.constant 1 : i32
    scf.for %scan3A_16 = %scan3A to %scan3A_8 step %scan3A_9  : i32 {
      %mul3A_17 = arith.constant 1 : i32
      %mul3A_18 = arith.muli %scan3A_16, %mul3A_17 : i32
      %add3A_19 = arith.constant 0 : i32
      %add3A_20 = arith.addi %add3A_19, %mul3A_18 : i32
      %dma_start3A = arith.constant 0 : i32
      %dma_start3A_21 = tpu.memref_slice %arg7[%add3A_20, %dma_start3A] : memref<80x128xi32, #tpu.memory_space<vmem>> -> memref<1x128xi32, #tpu.memory_space<vmem>>
      %dma_start3A_22 = tpu.memref_squeeze %dma_start3A_21 : memref<1x128xi32, #tpu.memory_space<vmem>> -> memref<128xi32, #tpu.memory_space<vmem>>
      %dma_start3A_23 = arith.constant 0 : i32
      %dma_start3A_24 = arith.constant 0 : i32
      %dma_start3A_25 = tpu.memref_slice %arg2[%dma_start3A_23, %dma_start3A_24] : memref<10240x128xf32, #tpu.memory_space<hbm>> -> memref<10240x128xf32, #tpu.memory_space<hbm>>
      tpu.enqueue_indirect_dma source(%dma_start3A_25 : memref<10240x128xf32, #tpu.memory_space<hbm>>) target(%arg9 : memref<128x128xf32, #tpu.memory_space<vmem>>) offsets(%dma_start3A_22 : memref<128xi32, #tpu.memory_space<vmem>>) semaphore(%arg10 : memref<!tpu.dma_semaphore, #tpu.memory_space<semaphore_mem>>)
      %dma_wait3A = arith.constant 0 : i32
      %dma_wait3A_26 = tpu.memref_slice %arg7[%add3A_20, %dma_wait3A] : memref<80x128xi32, #tpu.memory_space<vmem>> -> memref<1x128xi32, #tpu.memory_space<vmem>>
      %dma_wait3A_27 = tpu.memref_squeeze %dma_wait3A_26 : memref<1x128xi32, #tpu.memory_space<vmem>> -> memref<128xi32, #tpu.memory_space<vmem>>
      %dma_wait3A_28 = arith.constant 0 : i32
      %dma_wait3A_29 = arith.constant 0 : i32
      %dma_wait3A_30 = tpu.memref_slice %arg2[%dma_wait3A_28, %dma_wait3A_29] : memref<10240x128xf32, #tpu.memory_space<hbm>> -> memref<10240x128xf32, #tpu.memory_space<hbm>>
      tpu.wait_indirect_dma semaphore(%arg10 : memref<!tpu.dma_semaphore, #tpu.memory_space<semaphore_mem>>) src(%dma_wait3A_30 : memref<10240x128xf32, #tpu.memory_space<hbm>>) dst(%arg9 : memref<128x128xf32, #tpu.memory_space<vmem>>)
      "tpu.region"() ({
        %run_scoped3A = tpu.sem_alloc : memref<!tpu.dma_semaphore, #tpu.memory_space<semaphore_mem>>
        %dma_start3A_31 = arith.constant 0 : i32
        %dma_start3A_32 = tpu.memref_slice %arg8[%add3A_20, %dma_start3A_31] : memref<80x128xi32, #tpu.memory_space<vmem>> -> memref<1x128xi32, #tpu.memory_space<vmem>>
        %dma_start3A_33 = tpu.memref_squeeze %dma_start3A_32 : memref<1x128xi32, #tpu.memory_space<vmem>> -> memref<128xi32, #tpu.memory_space<vmem>>
        %dma_start3A_34 = arith.constant 0 : i32
        %dma_start3A_35 = arith.constant 0 : i32
        %dma_start3A_36 = tpu.memref_slice %arg6[%dma_start3A_34, %dma_start3A_35] : memref<10240x128xf32, #tpu.memory_space<vmem_shared>> -> memref<10240x128xf32, #tpu.memory_space<vmem_shared>>
        tpu.enqueue_indirect_dma source(%arg9 : memref<128x128xf32, #tpu.memory_space<vmem>>) target(%dma_start3A_36 : memref<10240x128xf32, #tpu.memory_space<vmem_shared>>) offsets(%dma_start3A_33 : memref<128xi32, #tpu.memory_space<vmem>>) semaphore(%run_scoped3A : memref<!tpu.dma_semaphore, #tpu.memory_space<semaphore_mem>>) {add = true}
        %dma_wait3A_37 = arith.constant 0 : i32
        %dma_wait3A_38 = tpu.memref_slice %arg8[%add3A_20, %dma_wait3A_37] : memref<80x128xi32, #tpu.memory_space<vmem>> -> memref<1x128xi32, #tpu.memory_space<vmem>>
        %dma_wait3A_39 = tpu.memref_squeeze %dma_wait3A_38 : memref<1x128xi32, #tpu.memory_space<vmem>> -> memref<128xi32, #tpu.memory_space<vmem>>
        %dma_wait3A_40 = arith.constant 0 : i32
        %dma_wait3A_41 = arith.constant 0 : i32
        %dma_wait3A_42 = tpu.memref_slice %arg6[%dma_wait3A_40, %dma_wait3A_41] : memref<10240x128xf32, #tpu.memory_space<vmem_shared>> -> memref<10240x128xf32, #tpu.memory_space<vmem_shared>>
        tpu.wait_indirect_dma semaphore(%run_scoped3A : memref<!tpu.dma_semaphore, #tpu.memory_space<semaphore_mem>>) src(%arg9 : memref<128x128xf32, #tpu.memory_space<vmem>>) dst(%dma_wait3A_42 : memref<10240x128xf32, #tpu.memory_space<vmem_shared>>)
        tpu.yield
      }) : () -> ()
    }
    %scan3A_10 = arith.constant 80 : i32
    %barrier3A_11 = arith.constant 0 : index
    tpu.barrier barrier_id(%barrier3A_11)
    %mul3A_12 = arith.constant 640 : i32
    %mul3A_13 = arith.muli %arg1, %mul3A_12 : i32
    %mul3A_14 = arith.constant 640 : i32
    %mul3A_15 = arith.muli %arg1, %mul3A_14 : i32
    "tpu.region"() ({
      %run_scoped3A = tpu.sem_alloc : memref<!tpu.dma_semaphore, #tpu.memory_space<semaphore_mem>>
      %dma_start3A = arith.constant 0 : i32
      %dma_start3A_16 = tpu.memref_slice %arg5[%arg0, %mul3A_15, %dma_start3A] : memref<2x10240x128xf32, #tpu.memory_space<hbm>> -> memref<1x640x128xf32, #tpu.memory_space<hbm>>
      %dma_start3A_17 = tpu.memref_squeeze %dma_start3A_16 : memref<1x640x128xf32, #tpu.memory_space<hbm>> -> memref<640x128xf32, #tpu.memory_space<hbm>>
      %dma_start3A_18 = arith.constant 0 : i32
      %dma_start3A_19 = tpu.memref_slice %arg6[%mul3A_13, %dma_start3A_18] : memref<10240x128xf32, #tpu.memory_space<vmem_shared>> -> memref<640x128xf32, #tpu.memory_space<vmem_shared>>
      tpu.enqueue_dma source(%dma_start3A_19 : memref<640x128xf32, #tpu.memory_space<vmem_shared>>) target(%dma_start3A_17 : memref<640x128xf32, #tpu.memory_space<hbm>>) target_semaphore(%run_scoped3A : memref<!tpu.dma_semaphore, #tpu.memory_space<semaphore_mem>>)
      %dma_wait3A = arith.constant 0 : i32
      %dma_wait3A_20 = tpu.memref_slice %arg5[%arg0, %mul3A_15, %dma_wait3A] : memref<2x10240x128xf32, #tpu.memory_space<hbm>> -> memref<1x640x128xf32, #tpu.memory_space<hbm>>
      %dma_wait3A_21 = tpu.memref_squeeze %dma_wait3A_20 : memref<1x640x128xf32, #tpu.memory_space<hbm>> -> memref<640x128xf32, #tpu.memory_space<hbm>>
      %dma_wait3A_22 = arith.constant 0 : i32
      %dma_wait3A_23 = tpu.memref_slice %arg6[%mul3A_13, %dma_wait3A_22] : memref<10240x128xf32, #tpu.memory_space<vmem_shared>> -> memref<640x128xf32, #tpu.memory_space<vmem_shared>>
      tpu.wait_dma2 semaphore(%run_scoped3A : memref<!tpu.dma_semaphore, #tpu.memory_space<semaphore_mem>>) src(%dma_wait3A_23 : memref<640x128xf32, #tpu.memory_space<vmem_shared>>) dst(%dma_wait3A_21 : memref<640x128xf32, #tpu.memory_space<hbm>>)
      tpu.yield
    }) : () -> ()
    return
  }
}

module attributes {stable_mosaic.version = 14 : i64} {
  func.func @_pre_body(%arg0: i32, %arg1: memref<1024x128xf32, #tpu.memory_space<vmem>>, %arg2: memref<128x128xf32, #tpu.memory_space<vmem>>, %arg3: memref<2x1024x1xf32, #tpu.memory_space<vmem>>, %arg4: memref<1024x128xf32, #tpu.memory_space<vmem>>) attributes {dimension_semantics = [#tpu.dimension_semantics<arbitrary>], iteration_bounds = array<i64: 10>, scalar_prefetch = 0 : i64, scratch_operands = 0 : i64, tpu.core_type = #tpu.core_type<tc>, window_params = [{transform_indices = @transform_0, window_bounds = array<i64: 1024, 128>}, {pipeline_mode = #tpu.pipeline_mode<synchronous>, transform_indices = @transform_1, window_bounds = array<i64: 128, 128>}, {transform_indices = @transform_2, window_bounds = array<i64: 2, 1024, 1>}, {transform_indices = @transform_3, window_bounds = array<i64: 1024, 128>}]} {
    %get3A = arith.constant 0 : index
    %get3A_0 = arith.constant 0 : index
    %get3A_1 = arith.constant 0 : index
    %get3A_2 = vector.load %arg3[%get3A, %get3A_0, %get3A_1] : memref<2x1024x1xf32, #tpu.memory_space<vmem>>, vector<2x1024x1xf32>
    %slice3A = vector.extract_strided_slice %get3A_2 {offsets = [0, 0, 0], sizes = [1, 1024, 1], strides = [1, 1, 1]} : vector<2x1024x1xf32> to vector<1x1024x1xf32>
    %squeeze3A = vector.shape_cast %slice3A : vector<1x1024x1xf32> to vector<1024x1xf32>
    %slice3A_3 = vector.extract_strided_slice %get3A_2 {offsets = [1, 0, 0], sizes = [1, 1024, 1], strides = [1, 1, 1]} : vector<2x1024x1xf32> to vector<1x1024x1xf32>
    %squeeze3A_4 = vector.shape_cast %slice3A_3 : vector<1x1024x1xf32> to vector<1024x1xf32>
    %add3A = arith.addf %squeeze3A, %squeeze3A_4 : vector<1024x1xf32>
    %add3A_5 = arith.constant 1.000000e+00 : f32
    %add3A_6 = vector.broadcast %add3A_5 : f32 to vector<1024x1xf32>
    %add3A_7 = arith.addf %add3A, %add3A_6 : vector<1024x1xf32>
    %rsqrt3A = math.rsqrt %add3A_7 : vector<1024x1xf32>
    %get3A_8 = arith.constant 0 : index
    %get3A_9 = arith.constant 0 : index
    %get3A_10 = vector.load %arg1[%get3A_8, %get3A_9] : memref<1024x128xf32, #tpu.memory_space<vmem>>, vector<1024x128xf32>
    %get3A_11 = arith.constant 0 : index
    %get3A_12 = arith.constant 0 : index
    %get3A_13 = vector.load %arg2[%get3A_11, %get3A_12] : memref<128x128xf32, #tpu.memory_space<vmem>>, vector<128x128xf32>
    %dot_general3A = arith.constant dense<0.000000e+00> : vector<1024x128xf32>
    %dot_general3A_14 = tpu.matmul %get3A_10, %get3A_13, %dot_general3A {dimension_numbers = #tpu.dot_dimension_numbers<[1], [0], [0], [1], [0, 0, 1, 1], [], []>, transpose_lhs_hint = false} : vector<1024x128xf32>, vector<128x128xf32>, vector<1024x128xf32> -> vector<1024x128xf32>
    %mul3A = vector.broadcast %rsqrt3A : vector<1024x1xf32> to vector<1024x128xf32>
    %mul3A_15 = arith.mulf %dot_general3A_14, %mul3A : vector<1024x128xf32>
    %swap3A = arith.constant 0 : index
    %swap3A_16 = arith.constant 0 : index
    %swap3A_17 = vector.load %arg4[%swap3A, %swap3A_16] : memref<1024x128xf32, #tpu.memory_space<vmem>>, vector<1024x128xf32>
    tpu.vector_store %arg4[%swap3A, %swap3A_16], %mul3A_15 {strides = array<i32>} : memref<1024x128xf32, #tpu.memory_space<vmem>>, vector<1024x128xf32>,
    return
  }
  func.func @transform_0(%arg0: i32) -> (i32, i32) {
    %c0_i32 = arith.constant 0 : i32
    %c0_i32_0 = arith.constant 0 : i32
    return %arg0, %c0_i32 : i32, i32
  }
  func.func @transform_1(%arg0: i32) -> (i32, i32) {
    %c0_i32 = arith.constant 0 : i32
    %c0_i32_0 = arith.constant 0 : i32
    %c0_i32_1 = arith.constant 0 : i32
    return %c0_i32, %c0_i32_0 : i32, i32
  }
  func.func @transform_2(%arg0: i32) -> (i32, i32, i32) {
    %c0_i32 = arith.constant 0 : i32
    %c0_i32_0 = arith.constant 0 : i32
    %c0_i32_1 = arith.constant 0 : i32
    return %c0_i32, %arg0, %c0_i32_0 : i32, i32, i32
  }
  func.func @transform_3(%arg0: i32) -> (i32, i32) {
    %c0_i32 = arith.constant 0 : i32
    %c0_i32_0 = arith.constant 0 : i32
    return %arg0, %c0_i32 : i32, i32
  }
}

module attributes {stable_mosaic.version = 14 : i64} {
  func.func @_mid_body(%arg0: i32, %arg1: memref<2x1024x128xf32, #tpu.memory_space<vmem>>, %arg2: memref<1024x128xf32, #tpu.memory_space<vmem>>, %arg3: memref<2x1024x1xf32, #tpu.memory_space<vmem>>, %arg4: memref<1x128xf32, #tpu.memory_space<vmem>>, %arg5: memref<1x128xf32, #tpu.memory_space<vmem>>, %arg6: memref<1x128xf32, #tpu.memory_space<vmem>>, %arg7: memref<1x128xf32, #tpu.memory_space<vmem>>, %arg8: memref<1x128xf32, #tpu.memory_space<vmem>>, %arg9: memref<128x128xf32, #tpu.memory_space<vmem>>, %arg10: memref<1024x128xf32, #tpu.memory_space<vmem>>) attributes {dimension_semantics = [#tpu.dimension_semantics<arbitrary>], iteration_bounds = array<i64: 10>, scalar_prefetch = 0 : i64, scratch_operands = 0 : i64, tpu.core_type = #tpu.core_type<tc>, window_params = [{transform_indices = @transform_0, window_bounds = array<i64: 2, 1024, 128>}, {transform_indices = @transform_1, window_bounds = array<i64: 1024, 128>}, {transform_indices = @transform_2, window_bounds = array<i64: 2, 1024, 1>}, {pipeline_mode = #tpu.pipeline_mode<synchronous>, transform_indices = @transform_3, window_bounds = array<i64: 1, 128>}, {pipeline_mode = #tpu.pipeline_mode<synchronous>, transform_indices = @transform_4, window_bounds = array<i64: 1, 128>}, {pipeline_mode = #tpu.pipeline_mode<synchronous>, transform_indices = @transform_5, window_bounds = array<i64: 1, 128>}, {pipeline_mode = #tpu.pipeline_mode<synchronous>, transform_indices = @transform_6, window_bounds = array<i64: 1, 128>}, {pipeline_mode = #tpu.pipeline_mode<synchronous>, transform_indices = @transform_7, window_bounds = array<i64: 1, 128>}, {pipeline_mode = #tpu.pipeline_mode<synchronous>, transform_indices = @transform_8, window_bounds = array<i64: 128, 128>}, {transform_indices = @transform_9, window_bounds = array<i64: 1024, 128>}]} {
    %get3A = arith.constant 0 : index
    %get3A_0 = arith.constant 0 : index
    %get3A_1 = arith.constant 0 : index
    %get3A_2 = vector.load %arg3[%get3A, %get3A_0, %get3A_1] : memref<2x1024x1xf32, #tpu.memory_space<vmem>>, vector<2x1024x1xf32>
    %slice3A = vector.extract_strided_slice %get3A_2 {offsets = [0, 0, 0], sizes = [1, 1024, 1], strides = [1, 1, 1]} : vector<2x1024x1xf32> to vector<1x1024x1xf32>
    %squeeze3A = vector.shape_cast %slice3A : vector<1x1024x1xf32> to vector<1024x1xf32>
    %slice3A_3 = vector.extract_strided_slice %get3A_2 {offsets = [1, 0, 0], sizes = [1, 1024, 1], strides = [1, 1, 1]} : vector<2x1024x1xf32> to vector<1x1024x1xf32>
    %squeeze3A_4 = vector.shape_cast %slice3A_3 : vector<1x1024x1xf32> to vector<1024x1xf32>
    %add3A = arith.addf %squeeze3A, %squeeze3A_4 : vector<1024x1xf32>
    %add3A_5 = arith.constant 1.000000e+00 : f32
    %add3A_6 = vector.broadcast %add3A_5 : f32 to vector<1024x1xf32>
    %add3A_7 = arith.addf %add3A, %add3A_6 : vector<1024x1xf32>
    %rsqrt3A = math.rsqrt %add3A_7 : vector<1024x1xf32>
    %get3A_8 = arith.constant 0 : index
    %get3A_9 = arith.constant 0 : index
    %get3A_10 = arith.constant 0 : index
    %get3A_11 = vector.load %arg1[%get3A_8, %get3A_9, %get3A_10] : memref<2x1024x128xf32, #tpu.memory_space<vmem>>, vector<1x1024x128xf32>
    %get3A_12 = vector.shape_cast %get3A_11 : vector<1x1024x128xf32> to vector<1024x128xf32>
    %get3A_13 = arith.constant 1 : index
    %get3A_14 = arith.constant 0 : index
    %get3A_15 = arith.constant 0 : index
    %get3A_16 = vector.load %arg1[%get3A_13, %get3A_14, %get3A_15] : memref<2x1024x128xf32, #tpu.memory_space<vmem>>, vector<1x1024x128xf32>
    %get3A_17 = vector.shape_cast %get3A_16 : vector<1x1024x128xf32> to vector<1024x128xf32>
    %add3A_18 = arith.addf %get3A_12, %get3A_17 : vector<1024x128xf32>
    %get3A_19 = arith.constant 0 : index
    %get3A_20 = arith.constant 0 : index
    %get3A_21 = vector.load %arg2[%get3A_19, %get3A_20] : memref<1024x128xf32, #tpu.memory_space<vmem>>, vector<1024x128xf32>
    %sub3A = arith.subf %add3A_18, %get3A_21 : vector<1024x128xf32>
    %get3A_22 = arith.constant 0 : index
    %get3A_23 = arith.constant 0 : index
    %get3A_24 = vector.load %arg4[%get3A_22, %get3A_23] : memref<1x128xf32, #tpu.memory_space<vmem>>, vector<1x128xf32>
    %get3A_25 = arith.constant 0 : index
    %get3A_26 = arith.constant 0 : index
    %get3A_27 = vector.load %arg5[%get3A_25, %get3A_26] : memref<1x128xf32, #tpu.memory_space<vmem>>, vector<1x128xf32>
    %get3A_28 = arith.constant 0 : index
    %get3A_29 = arith.constant 0 : index
    %get3A_30 = vector.load %arg6[%get3A_28, %get3A_29] : memref<1x128xf32, #tpu.memory_space<vmem>>, vector<1x128xf32>
    %get3A_31 = arith.constant 0 : index
    %get3A_32 = arith.constant 0 : index
    %get3A_33 = vector.load %arg7[%get3A_31, %get3A_32] : memref<1x128xf32, #tpu.memory_space<vmem>>, vector<1x128xf32>
    %get3A_34 = arith.constant 0 : index
    %get3A_35 = arith.constant 0 : index
    %get3A_36 = vector.load %arg8[%get3A_34, %get3A_35] : memref<1x128xf32, #tpu.memory_space<vmem>>, vector<1x128xf32>
    %mul3A = vector.broadcast %rsqrt3A : vector<1024x1xf32> to vector<1024x128xf32>
    %mul3A_37 = arith.mulf %sub3A, %mul3A : vector<1024x128xf32>
    %add3A_38 = vector.broadcast %get3A_24 : vector<1x128xf32> to vector<1024x128xf32>
    %add3A_39 = arith.addf %mul3A_37, %add3A_38 : vector<1024x128xf32>
    %sub3A_40 = vector.broadcast %get3A_33 : vector<1x128xf32> to vector<1024x128xf32>
    %sub3A_41 = arith.subf %add3A_39, %sub3A_40 : vector<1024x128xf32>
    %add3A_42 = arith.constant 9.99999974E-6 : f32
    %add3A_43 = vector.broadcast %add3A_42 : f32 to vector<1x128xf32>
    %add3A_44 = arith.addf %get3A_36, %add3A_43 : vector<1x128xf32>
    %rsqrt3A_45 = math.rsqrt %add3A_44 : vector<1x128xf32>
    %mul3A_46 = vector.broadcast %rsqrt3A_45 : vector<1x128xf32> to vector<1024x128xf32>
    %mul3A_47 = arith.mulf %sub3A_41, %mul3A_46 : vector<1024x128xf32>
    %mul3A_48 = vector.broadcast %get3A_27 : vector<1x128xf32> to vector<1024x128xf32>
    %mul3A_49 = arith.mulf %mul3A_47, %mul3A_48 : vector<1024x128xf32>
    %add3A_50 = vector.broadcast %get3A_30 : vector<1x128xf32> to vector<1024x128xf32>
    %add3A_51 = arith.addf %mul3A_49, %add3A_50 : vector<1024x128xf32>
    %gt3A = arith.constant 0.000000e+00 : f32
    %gt3A_52 = vector.broadcast %gt3A : f32 to vector<1024x128xf32>
    %gt3A_53 = arith.cmpf ogt, %add3A_51, %gt3A_52 : vector<1024x128xf32>
    %min3A = arith.constant 0.000000e+00 : f32
    %min3A_54 = vector.broadcast %min3A : f32 to vector<1024x128xf32>
    %min3A_55 = arith.minimumf %add3A_51, %min3A_54 : vector<1024x128xf32>
    %exp3A = math.exp %min3A_55 : vector<1024x128xf32>
    %sub3A_56 = arith.constant 1.000000e+00 : f32
    %sub3A_57 = vector.broadcast %sub3A_56 : f32 to vector<1024x128xf32>
    %sub3A_58 = arith.subf %exp3A, %sub3A_57 : vector<1024x128xf32>
    %select_n3A = arith.select %gt3A_53, %add3A_51, %sub3A_58 : vector<1024x128xi1>, vector<1024x128xf32>
    %get3A_59 = arith.constant 0 : index
    %get3A_60 = arith.constant 0 : index
    %get3A_61 = vector.load %arg9[%get3A_59, %get3A_60] : memref<128x128xf32, #tpu.memory_space<vmem>>, vector<128x128xf32>
    %dot_general3A = arith.constant dense<0.000000e+00> : vector<1024x128xf32>
    %dot_general3A_62 = tpu.matmul %select_n3A, %get3A_61, %dot_general3A {dimension_numbers = #tpu.dot_dimension_numbers<[1], [0], [0], [1], [0, 0, 1, 1], [], []>, transpose_lhs_hint = false} : vector<1024x128xf32>, vector<128x128xf32>, vector<1024x128xf32> -> vector<1024x128xf32>
    %mul3A_63 = vector.broadcast %rsqrt3A : vector<1024x1xf32> to vector<1024x128xf32>
    %mul3A_64 = arith.mulf %dot_general3A_62, %mul3A_63 : vector<1024x128xf32>
    %swap3A = arith.constant 0 : index
    %swap3A_65 = arith.constant 0 : index
    %swap3A_66 = vector.load %arg10[%swap3A, %swap3A_65] : memref<1024x128xf32, #tpu.memory_space<vmem>>, vector<1024x128xf32>
    tpu.vector_store %arg10[%swap3A, %swap3A_65], %mul3A_64 {strides = array<i32>} : memref<1024x128xf32, #tpu.memory_space<vmem>>, vector<1024x128xf32>,
    return
  }
  func.func @transform_0(%arg0: i32) -> (i32, i32, i32) {
    %c0_i32 = arith.constant 0 : i32
    %c0_i32_0 = arith.constant 0 : i32
    %c0_i32_1 = arith.constant 0 : i32
    return %c0_i32, %arg0, %c0_i32_0 : i32, i32, i32
  }
  func.func @transform_1(%arg0: i32) -> (i32, i32) {
    %c0_i32 = arith.constant 0 : i32
    %c0_i32_0 = arith.constant 0 : i32
    return %arg0, %c0_i32 : i32, i32
  }
  func.func @transform_2(%arg0: i32) -> (i32, i32, i32) {
    %c0_i32 = arith.constant 0 : i32
    %c0_i32_0 = arith.constant 0 : i32
    %c0_i32_1 = arith.constant 0 : i32
    return %c0_i32, %arg0, %c0_i32_0 : i32, i32, i32
  }
  func.func @transform_3(%arg0: i32) -> (i32, i32) {
    %c0_i32 = arith.constant 0 : i32
    %c0_i32_0 = arith.constant 0 : i32
    %c0_i32_1 = arith.constant 0 : i32
    return %c0_i32, %c0_i32_0 : i32, i32
  }
  func.func @transform_4(%arg0: i32) -> (i32, i32) {
    %c0_i32 = arith.constant 0 : i32
    %c0_i32_0 = arith.constant 0 : i32
    %c0_i32_1 = arith.constant 0 : i32
    return %c0_i32, %c0_i32_0 : i32, i32
  }
  func.func @transform_5(%arg0: i32) -> (i32, i32) {
    %c0_i32 = arith.constant 0 : i32
    %c0_i32_0 = arith.constant 0 : i32
    %c0_i32_1 = arith.constant 0 : i32
    return %c0_i32, %c0_i32_0 : i32, i32
  }
  func.func @transform_6(%arg0: i32) -> (i32, i32) {
    %c0_i32 = arith.constant 0 : i32
    %c0_i32_0 = arith.constant 0 : i32
    %c0_i32_1 = arith.constant 0 : i32
    return %c0_i32, %c0_i32_0 : i32, i32
  }
  func.func @transform_7(%arg0: i32) -> (i32, i32) {
    %c0_i32 = arith.constant 0 : i32
    %c0_i32_0 = arith.constant 0 : i32
    %c0_i32_1 = arith.constant 0 : i32
    return %c0_i32, %c0_i32_0 : i32, i32
  }
  func.func @transform_8(%arg0: i32) -> (i32, i32) {
    %c0_i32 = arith.constant 0 : i32
    %c0_i32_0 = arith.constant 0 : i32
    %c0_i32_1 = arith.constant 0 : i32
    return %c0_i32, %c0_i32_0 : i32, i32
  }
  func.func @transform_9(%arg0: i32) -> (i32, i32) {
    %c0_i32 = arith.constant 0 : i32
    %c0_i32_0 = arith.constant 0 : i32
    return %arg0, %c0_i32 : i32, i32
  }
}

module attributes {stable_mosaic.version = 14 : i64} {
  func.func @_final_body(%arg0: i32, %arg1: memref<2x1024x128xf32, #tpu.memory_space<vmem>>, %arg2: memref<1024x128xf32, #tpu.memory_space<vmem>>, %arg3: memref<2x1024x1xf32, #tpu.memory_space<vmem>>, %arg4: memref<1x128xf32, #tpu.memory_space<vmem>>, %arg5: memref<1x128xf32, #tpu.memory_space<vmem>>, %arg6: memref<1x128xf32, #tpu.memory_space<vmem>>, %arg7: memref<1x128xf32, #tpu.memory_space<vmem>>, %arg8: memref<1x128xf32, #tpu.memory_space<vmem>>, %arg9: memref<1024x128xf32, #tpu.memory_space<vmem>>) attributes {dimension_semantics = [#tpu.dimension_semantics<arbitrary>], iteration_bounds = array<i64: 10>, scalar_prefetch = 0 : i64, scratch_operands = 0 : i64, tpu.core_type = #tpu.core_type<tc>, window_params = [{transform_indices = @transform_0, window_bounds = array<i64: 2, 1024, 128>}, {transform_indices = @transform_1, window_bounds = array<i64: 1024, 128>}, {transform_indices = @transform_2, window_bounds = array<i64: 2, 1024, 1>}, {pipeline_mode = #tpu.pipeline_mode<synchronous>, transform_indices = @transform_3, window_bounds = array<i64: 1, 128>}, {pipeline_mode = #tpu.pipeline_mode<synchronous>, transform_indices = @transform_4, window_bounds = array<i64: 1, 128>}, {pipeline_mode = #tpu.pipeline_mode<synchronous>, transform_indices = @transform_5, window_bounds = array<i64: 1, 128>}, {pipeline_mode = #tpu.pipeline_mode<synchronous>, transform_indices = @transform_6, window_bounds = array<i64: 1, 128>}, {pipeline_mode = #tpu.pipeline_mode<synchronous>, transform_indices = @transform_7, window_bounds = array<i64: 1, 128>}, {transform_indices = @transform_8, window_bounds = array<i64: 1024, 128>}]} {
    %get3A = arith.constant 0 : index
    %get3A_0 = arith.constant 0 : index
    %get3A_1 = arith.constant 0 : index
    %get3A_2 = vector.load %arg3[%get3A, %get3A_0, %get3A_1] : memref<2x1024x1xf32, #tpu.memory_space<vmem>>, vector<2x1024x1xf32>
    %slice3A = vector.extract_strided_slice %get3A_2 {offsets = [0, 0, 0], sizes = [1, 1024, 1], strides = [1, 1, 1]} : vector<2x1024x1xf32> to vector<1x1024x1xf32>
    %squeeze3A = vector.shape_cast %slice3A : vector<1x1024x1xf32> to vector<1024x1xf32>
    %slice3A_3 = vector.extract_strided_slice %get3A_2 {offsets = [1, 0, 0], sizes = [1, 1024, 1], strides = [1, 1, 1]} : vector<2x1024x1xf32> to vector<1x1024x1xf32>
    %squeeze3A_4 = vector.shape_cast %slice3A_3 : vector<1x1024x1xf32> to vector<1024x1xf32>
    %add3A = arith.addf %squeeze3A, %squeeze3A_4 : vector<1024x1xf32>
    %add3A_5 = arith.constant 1.000000e+00 : f32
    %add3A_6 = vector.broadcast %add3A_5 : f32 to vector<1024x1xf32>
    %add3A_7 = arith.addf %add3A, %add3A_6 : vector<1024x1xf32>
    %rsqrt3A = math.rsqrt %add3A_7 : vector<1024x1xf32>
    %get3A_8 = arith.constant 0 : index
    %get3A_9 = arith.constant 0 : index
    %get3A_10 = arith.constant 0 : index
    %get3A_11 = vector.load %arg1[%get3A_8, %get3A_9, %get3A_10] : memref<2x1024x128xf32, #tpu.memory_space<vmem>>, vector<1x1024x128xf32>
    %get3A_12 = vector.shape_cast %get3A_11 : vector<1x1024x128xf32> to vector<1024x128xf32>
    %get3A_13 = arith.constant 1 : index
    %get3A_14 = arith.constant 0 : index
    %get3A_15 = arith.constant 0 : index
    %get3A_16 = vector.load %arg1[%get3A_13, %get3A_14, %get3A_15] : memref<2x1024x128xf32, #tpu.memory_space<vmem>>, vector<1x1024x128xf32>
    %get3A_17 = vector.shape_cast %get3A_16 : vector<1x1024x128xf32> to vector<1024x128xf32>
    %add3A_18 = arith.addf %get3A_12, %get3A_17 : vector<1024x128xf32>
    %get3A_19 = arith.constant 0 : index
    %get3A_20 = arith.constant 0 : index
    %get3A_21 = vector.load %arg2[%get3A_19, %get3A_20] : memref<1024x128xf32, #tpu.memory_space<vmem>>, vector<1024x128xf32>
    %sub3A = arith.subf %add3A_18, %get3A_21 : vector<1024x128xf32>
    %get3A_22 = arith.constant 0 : index
    %get3A_23 = arith.constant 0 : index
    %get3A_24 = vector.load %arg4[%get3A_22, %get3A_23] : memref<1x128xf32, #tpu.memory_space<vmem>>, vector<1x128xf32>
    %get3A_25 = arith.constant 0 : index
    %get3A_26 = arith.constant 0 : index
    %get3A_27 = vector.load %arg5[%get3A_25, %get3A_26] : memref<1x128xf32, #tpu.memory_space<vmem>>, vector<1x128xf32>
    %get3A_28 = arith.constant 0 : index
    %get3A_29 = arith.constant 0 : index
    %get3A_30 = vector.load %arg6[%get3A_28, %get3A_29] : memref<1x128xf32, #tpu.memory_space<vmem>>, vector<1x128xf32>
    %get3A_31 = arith.constant 0 : index
    %get3A_32 = arith.constant 0 : index
    %get3A_33 = vector.load %arg7[%get3A_31, %get3A_32] : memref<1x128xf32, #tpu.memory_space<vmem>>, vector<1x128xf32>
    %get3A_34 = arith.constant 0 : index
    %get3A_35 = arith.constant 0 : index
    %get3A_36 = vector.load %arg8[%get3A_34, %get3A_35] : memref<1x128xf32, #tpu.memory_space<vmem>>, vector<1x128xf32>
    %mul3A = vector.broadcast %rsqrt3A : vector<1024x1xf32> to vector<1024x128xf32>
    %mul3A_37 = arith.mulf %sub3A, %mul3A : vector<1024x128xf32>
    %add3A_38 = vector.broadcast %get3A_24 : vector<1x128xf32> to vector<1024x128xf32>
    %add3A_39 = arith.addf %mul3A_37, %add3A_38 : vector<1024x128xf32>
    %sub3A_40 = vector.broadcast %get3A_33 : vector<1x128xf32> to vector<1024x128xf32>
    %sub3A_41 = arith.subf %add3A_39, %sub3A_40 : vector<1024x128xf32>
    %add3A_42 = arith.constant 9.99999974E-6 : f32
    %add3A_43 = vector.broadcast %add3A_42 : f32 to vector<1x128xf32>
    %add3A_44 = arith.addf %get3A_36, %add3A_43 : vector<1x128xf32>
    %rsqrt3A_45 = math.rsqrt %add3A_44 : vector<1x128xf32>
    %mul3A_46 = vector.broadcast %rsqrt3A_45 : vector<1x128xf32> to vector<1024x128xf32>
    %mul3A_47 = arith.mulf %sub3A_41, %mul3A_46 : vector<1024x128xf32>
    %mul3A_48 = vector.broadcast %get3A_27 : vector<1x128xf32> to vector<1024x128xf32>
    %mul3A_49 = arith.mulf %mul3A_47, %mul3A_48 : vector<1024x128xf32>
    %add3A_50 = vector.broadcast %get3A_30 : vector<1x128xf32> to vector<1024x128xf32>
    %add3A_51 = arith.addf %mul3A_49, %add3A_50 : vector<1024x128xf32>
    %gt3A = arith.constant 0.000000e+00 : f32
    %gt3A_52 = vector.broadcast %gt3A : f32 to vector<1024x128xf32>
    %gt3A_53 = arith.cmpf ogt, %add3A_51, %gt3A_52 : vector<1024x128xf32>
    %min3A = arith.constant 0.000000e+00 : f32
    %min3A_54 = vector.broadcast %min3A : f32 to vector<1024x128xf32>
    %min3A_55 = arith.minimumf %add3A_51, %min3A_54 : vector<1024x128xf32>
    %exp3A = math.exp %min3A_55 : vector<1024x128xf32>
    %sub3A_56 = arith.constant 1.000000e+00 : f32
    %sub3A_57 = vector.broadcast %sub3A_56 : f32 to vector<1024x128xf32>
    %sub3A_58 = arith.subf %exp3A, %sub3A_57 : vector<1024x128xf32>
    %select_n3A = arith.select %gt3A_53, %add3A_51, %sub3A_58 : vector<1024x128xi1>, vector<1024x128xf32>
    %swap3A = arith.constant 0 : index
    %swap3A_59 = arith.constant 0 : index
    %swap3A_60 = vector.load %arg9[%swap3A, %swap3A_59] : memref<1024x128xf32, #tpu.memory_space<vmem>>, vector<1024x128xf32>
    tpu.vector_store %arg9[%swap3A, %swap3A_59], %select_n3A {strides = array<i32>} : memref<1024x128xf32, #tpu.memory_space<vmem>>, vector<1024x128xf32>,
    return
  }
  func.func @transform_0(%arg0: i32) -> (i32, i32, i32) {
    %c0_i32 = arith.constant 0 : i32
    %c0_i32_0 = arith.constant 0 : i32
    %c0_i32_1 = arith.constant 0 : i32
    return %c0_i32, %arg0, %c0_i32_0 : i32, i32, i32
  }
  func.func @transform_1(%arg0: i32) -> (i32, i32) {
    %c0_i32 = arith.constant 0 : i32
    %c0_i32_0 = arith.constant 0 : i32
    return %arg0, %c0_i32 : i32, i32
  }
  func.func @transform_2(%arg0: i32) -> (i32, i32, i32) {
    %c0_i32 = arith.constant 0 : i32
    %c0_i32_0 = arith.constant 0 : i32
    %c0_i32_1 = arith.constant 0 : i32
    return %c0_i32, %arg0, %c0_i32_0 : i32, i32, i32
  }
  func.func @transform_3(%arg0: i32) -> (i32, i32) {
    %c0_i32 = arith.constant 0 : i32
    %c0_i32_0 = arith.constant 0 : i32
    %c0_i32_1 = arith.constant 0 : i32
    return %c0_i32, %c0_i32_0 : i32, i32
  }
  func.func @transform_4(%arg0: i32) -> (i32, i32) {
    %c0_i32 = arith.constant 0 : i32
    %c0_i32_0 = arith.constant 0 : i32
    %c0_i32_1 = arith.constant 0 : i32
    return %c0_i32, %c0_i32_0 : i32, i32
  }
  func.func @transform_5(%arg0: i32) -> (i32, i32) {
    %c0_i32 = arith.constant 0 : i32
    %c0_i32_0 = arith.constant 0 : i32
    %c0_i32_1 = arith.constant 0 : i32
    return %c0_i32, %c0_i32_0 : i32, i32
  }
  func.func @transform_6(%arg0: i32) -> (i32, i32) {
    %c0_i32 = arith.constant 0 : i32
    %c0_i32_0 = arith.constant 0 : i32
    %c0_i32_1 = arith.constant 0 : i32
    return %c0_i32, %c0_i32_0 : i32, i32
  }
  func.func @transform_7(%arg0: i32) -> (i32, i32) {
    %c0_i32 = arith.constant 0 : i32
    %c0_i32_0 = arith.constant 0 : i32
    %c0_i32_1 = arith.constant 0 : i32
    return %c0_i32, %c0_i32_0 : i32, i32
  }
  func.func @transform_8(%arg0: i32) -> (i32, i32) {
    %c0_i32 = arith.constant 0 : i32
    %c0_i32_0 = arith.constant 0 : i32
    return %arg0, %c0_i32 : i32, i32
  }
}

</mosaic_0001>

<sc_bundles>
// kernel: kernel.10.cloned.1.call-start
scs
__scs_entry_jumppad:
0x0: {  	(pc) =	sbr.rel $0x88, $3  }
0x1: {  	(tag) =	ssettag $0x0;
	lr =	simm.s32 $0x1  }
0x2: {  	[smem:$0x3F8D] =	sst lr;
	_ =	strace $0xD0000000  }
0x3: {  	_ = 	snop  }
0x4: {  	_ = 	snop  }
0x5: {  	_ = 	snop  }
0x6: {  	_ = 	snop  }
0x7: {  	_ = 	snop  }
__scs_overlays_trampoline_lowered:
0x8: {  	[smem:$0x3F9C] =	sst s0  }
0x9: {  	[smem:$0x3F9D] =	sst s1  }
0xa: {  	[smem:$0x3F9E] =	sst s2  }
0xb: {  	[smem:$0x3F9F] =	sst s3  }
0xc: {  	[smem:$0x3FA0] =	sst s4  }
0xd: {  	[smem:$0x3FA1] =	sst s5  }
0xe: {  	[smem:$0x3FA2] =	sst s6  }
0xf: {  	[smem:$0x3FA3] =	sst s7  }
0x10: {  	[smem:$0x3FA4] =	sst s8  }
0x11: {  	[smem:$0x3FA5] =	sst s9;
	s0 =	simm.s32 @!p0 $0x0  }
0x12: {  	s1 =	sld [smem:$0x3F8B];
	s0 =	simm.s32 @p0 $0x1  }
0x13: {  	[smem:$0x3FA6] =	sst s0;
	s0 =	simm.s32 @!p1 $0x0  }
0x14: {  	s2 =	sld [smem:$0x3F8A];
	s0 =	simm.s32 @p1 $0x1  }
0x15: {  	[smem:$0x3FA7] =	sst s0;
	s0 =	simm.s32 @!p2 $0x0  }
0x16: {  	s3 =	sld [smem:$0x3FDB];
	s0 =	simm.s32 @p2 $0x1  }
0x17: {  	s4 =	simm.s32 $0x1BF5;
	[smem:$0x3FA9] =	sst s0  }
0x18: {  	s0 =	sld [smem:$0x3F8C];
	_ =	swait.ge [sflag:s4], $0x0  }
0x19: {  	s7 =	sld [smem:$0x3F8D]  }
0x1a: {  	s8 =	sadd.s32 $0xFFFFE003, lr  }
0x1b: {  	s9 =	sadd.s32 $0xFFFFFEF7, lr;
	s5 =	simm.s32 $0xFFFFFFFF;
	p2 =	slt.u32 s8, $0xFFFFF086  }
0x1c: {  	p1 =	slt.u32 s9, $0xF7A;
	s5 =	simm.s32 @!p2 $0x0  }
0x1d: {  	s5 =	simm.s32 @p1 $0x1;
	p0 =	seq.s32 s7, s2  }
0x1e: {  	s7 =	smul.u32 @!p0 $0xF7A, s2;
	p2 =	seq.s32 @!p0 s5, $0x0  }
0x1f: {  	s9 =	smul.u32 $0xF7A, s1;
	s8 =	simm.s32 @!p0 $0x1BF5;
	p2 =	por !p2, p0  }
0x20: {  	[sflag:s8] =	ssyncset.s32 @!p0 $0xFFFFF086;
	s6 =	sadd.s32 @!p0 s3, s7;
	s7 =	simm.s32 @!p0 $0x108  }
0x21: {  	s3 =	sadd.s32 s3, s9;
	s6 =	sadd.s32 @!p0 $0x88, s6;
	s7 =	simm.s32 @p2 $0x1082  }
0x22: {  	[simem:s7], [sflag:s8] =	dma.local @!p0 [hbm:s6], $0xF7A  }
0x23: {  	s9 =	sor.u32 $0xD0000000, s2;
	s6 =	simm.s32 $0x108;
	_ =	swait.ge @!p0 [sflag:s8], $0x0  }
0x24: {  	s3 =	sadd.s32 $0x88, s3;
	s6 =	simm.s32 @!p1 $0x1082;
	[sflag:s4] =	ssyncset.s32 $0xFFFFF086  }
0x25: {  	[simem:s6], [sflag:s4] =	dma.local [hbm:s3], $0xF7A  }
0x26: {  	[smem:$0x3F8D] =	sst s1;
	(tag) =	ssettag s2;
	_ =	strace s9  }
0x27: {  	s1 =	sld [smem:$0x3F9D]  }
0x28: {  	s2 =	sld [smem:$0x3F9E]  }
0x29: {  	s4 =	sld [smem:$0x3FA0]  }
0x2a: {  	p0 =	seq.s32 s5, $0x0;
	s5 =	sld [smem:$0x3FA1]  }
0x2b: {  	s6 =	sld [smem:$0x3FA2]  }
0x2c: {  	s7 =	sld [smem:$0x3FA3]  }
0x2d: {  	s3 =	simm.s32 $0x108;
	s8 =	sld [smem:$0x3FA4]  }
0x2e: {  	s3 =	simm.s32 @!p0 $0x1082;
	s9 =	sld [smem:$0x3FA5]  }
0x2f: {  	lr =	sadd.s32 s0, s3;
	s0 =	sld [smem:$0x3F9C]  }
0x30: {  	s3 =	sld [smem:$0x3F9F]  }
0x31: {  	[smem:$0x3FA8] =	sst s10  }
0x32: {  	s10 =	sld [smem:$0x3FA6];
	_ =	sdelay $0x3  }
0x33: {  	p0 =	seq.s32 s10, $0x1;
	s10 =	sld [smem:$0x3FA8];
	_ =	sdelay $0x3  }
0x34: {  	[smem:$0x3FA8] =	sst s10  }
0x35: {  	s10 =	sld [smem:$0x3FA7];
	_ =	sdelay $0x3  }
0x36: {  	p1 =	seq.s32 s10, $0x1;
	s10 =	sld [smem:$0x3FA8];
	_ =	sdelay $0x3  }
0x37: {  	[smem:$0x3FA8] =	sst s10  }
0x38: {  	s10 =	sld [smem:$0x3FA9]  }
0x39: {  	_ = 	snop;
	(pc) =	sbr.ind lr, $3  }
0x3a: {  	_ = 	snop  }
0x3b: {  	_ = 	snop  }
0x3c: {  	p2 =	seq.s32 s10, $0x1;
	s10 =	sld [smem:$0x3FA8]  }
0x3d: {  	_ =	shalt  }
0x3e: {  	_ =	shalt  }
0x3f: {  	_ =	shalt  }
0x40: {  	_ =	shalt  }
0x41: {  	_ =	shalt  }
0x42: {  	_ =	shalt  }
0x43: {  	_ =	shalt  }
0x44: {  	_ =	shalt  }
0x45: {  	_ =	shalt  }
0x46: {  	_ =	shalt  }
0x47: {  	_ =	shalt  }
0x48: {  	_ =	shalt  }
0x49: {  	_ =	shalt  }
0x4a: {  	_ =	shalt  }
0x4b: {  	_ =	shalt  }
0x4c: {  	_ =	shalt  }
0x4d: {  	_ =	shalt  }
0x4e: {  	_ =	shalt  }
0x4f: {  	_ =	shalt  }
0x50: {  	_ =	shalt  }
0x51: {  	_ =	shalt  }
0x52: {  	_ =	shalt  }
0x53: {  	_ =	shalt  }
0x54: {  	_ =	shalt  }
0x55: {  	_ =	shalt  }
0x56: {  	_ =	shalt  }
0x57: {  	_ =	shalt  }
0x58: {  	_ =	shalt  }
0x59: {  	_ =	shalt  }
0x5a: {  	_ =	shalt  }
0x5b: {  	_ =	shalt  }
0x5c: {  	_ =	shalt  }
0x5d: {  	_ =	shalt  }
0x5e: {  	_ =	shalt  }
0x5f: {  	_ =	shalt  }
0x60: {  	_ =	shalt  }
0x61: {  	_ =	shalt  }
0x62: {  	_ =	shalt  }
0x63: {  	_ =	shalt  }
0x64: {  	_ =	shalt  }
0x65: {  	_ =	shalt  }
0x66: {  	_ =	shalt  }
0x67: {  	_ =	shalt  }
0x68: {  	_ =	shalt  }
0x69: {  	_ =	shalt  }
0x6a: {  	_ =	shalt  }
0x6b: {  	_ =	shalt  }
0x6c: {  	_ =	shalt  }
0x6d: {  	_ =	shalt  }
0x6e: {  	_ =	shalt  }
0x6f: {  	_ =	shalt  }
0x70: {  	_ =	shalt  }
0x71: {  	_ =	shalt  }
0x72: {  	_ =	shalt  }
0x73: {  	_ =	shalt  }
0x74: {  	_ =	shalt  }
0x75: {  	_ =	shalt  }
0x76: {  	_ =	shalt  }
0x77: {  	_ =	shalt  }
0x78: {  	_ =	shalt  }
0x79: {  	_ =	shalt  }
0x7a: {  	_ =	shalt  }
0x7b: {  	_ =	shalt  }
0x7c: {  	_ =	shalt  }
0x7d: {  	_ =	shalt  }
0x7e: {  	_ =	shalt  }
0x7f: {  	_ =	shalt  }
0x80: {  	_ =	shalt  }
0x81: {  	_ =	shalt  }
0x82: {  	_ =	shalt  }
0x83: {  	_ =	shalt  }
0x84: {  	_ =	shalt  }
0x85: {  	_ =	shalt  }
0x86: {  	_ =	shalt  }
0x87: {  	_ =	shalt  }
.Lfunc_end0:
.L_simem_size_0:
called_computation_lowered:
.L_overlay_start_0:
0x88: {  	s2 =	sld [smem:$0x3FD9]  }
0x89: {  	s3 =	sld [smem:$0x3FFE];
	_ =	sdelay $0x1  }
0x8a: {  	s1 =	srdreg.scid  }
0x8b: {  	s0 =	sand.u32 $0x1, s1  }
0x8c: {  	s16 =	sshll.u32 s0, $0xA;
	s2 =	sadd.s32 s3, s2  }
0x8d: {  	s2 =	sadd.s32 s2, s16  }
0x8e: {  	[smem:$0x3FB4] =	sst s2  }
0x8f: {  	_ = 	snop  }
0x90: {  	(tm) =	ssettm $0x1  }
0x91: {  	s17 =	sld [smem:$0x3FFB];
	_ =	sdelay $0x3  }
0x92: {  	_ =	strace s17  }
0x93: {  	s2 =	sld [smem:$0x3FFC];
	_ =	sdelay $0x3  }
0x94: {  	_ =	strace s2  }
0x95: {  	s2 =	sld [smem:$0x3FFD];
	_ =	sdelay $0x3  }
0x96: {  	_ =	strace s2  }
0x97: {  	_ =	strace $0x8FFFFFFF  }
0x98: {  	s18 =	sld [smem:$0x3FDB];
	_ =	sdelay $0x1  }
0x99: {  	s19 =	simm.s32 $_scs_section_size  }
0x9a: {  	s4 =	simm.s32 $_size__tile_overlayer_lowered;
	s5 =	simm.s32 $_tile_overlayer_lowered  }
0x9b: {  	s22 =	simm.s32 $0x1BFF;
	s21 =	sshll.u32 s5, $0x1;
	s2 =	sadd.s32 s19, s18  }
0x9c: {  	s6 =	simm.s32 $0x0;
	s20 =	sshll.u32 s4, $0x1;
	s4 =	sadd.s32 s21, s2  }
0x9d: {  	[timem:s6], [sflag:s22] =	dma.local [hbm:s4], s20  }
0x9e: {  	_ =	swait.ge [sflag:s22], s20  }
0x9f: {  	s3 =	ssub.s32 $0x0, s20;
	[sflag:s22] =	ssyncset.done $0x0  }
0xa0: {  	[sflag:s22] =	ssyncadd.s32 s3;
	_ =	sdelay $0x1  }
0xa1: {  	s23 =	simm.s32 $0x1B8B  }
0xa2: {  	_ =	swait.ge [sflag:s23], $0x1  }
0xa3: {  	[sflag:s23] =	ssyncset.done $0x0  }
0xa4: {  	s25 =	simm.s32 $0x1B8E;
	s24 =	sld [smem:$0x3FFE];
	[sflag:s23] =	ssyncadd.s32 $0xFFFFFFFF  }
0xa5: {  	s26 =	simm.s32 $execute0_lowered;
	[smem:$0x3FD2] =	sst s25  }
0xa6: {  	s4 =	sshll.u32 s26, $0x1;
	_ =	strace $0x80000046;
	[dreg:$0x1] =	wrdreg $0xFFFFFFFF  }
0xa7: {  	s28 =	simm.s32 $_size_execute0_lowered;
	s2 =	sadd.s32 s2, s4;
	[dreg:$0x0] =	wrdreg $0x0  }
0xa8: {  	s4 =	sshll.u32 s28, $0x1;
	[dreg:$0x2] =	wrdreg s2  }
0xa9: {  	[dreg:$0x3] =	wrdreg s4  }
0xaa: {  	[dreg:$0x4] =	wrdreg $0xC0  }
0xab: {  	_ =	task [dreg:s6], $0x5FFFF  }
0xac: {  	[dreg:$0x1] =	wrdreg $0xFFFFFFFF  }
0xad: {  	[dreg:$0x0] =	wrdreg $0x60  }
0xae: {  	[dreg:$0x2] =	wrdreg s24  }
0xaf: {  	[dreg:$0x3] =	wrdreg $0x0  }
0xb0: {  	[dreg:$0x4] =	wrdreg $0x9  }
0xb1: {  	_ =	task.clear_ibuf [dreg:s6], $0x5FFFF;
	_ =	strace $0x90000046  }
0xb2: {  	s29 =	simm.s32 $0x9;
	_ =	strace $0x80000048  }
0xb3: {  	_ =	swait.ge [sflag:s29], $0x1  }
0xb4: {  	[sflag:s29] =	ssyncadd.s32 $0xFFFFFFFF  }
0xb5: {  	_ =	strace $0x90000048  }
0xb6: {  	_ =	sfence  }
0xb7: {  	s30 =	sld [smem:$0x0];
	_ =	sdelay $0x2  }
0xb8: {  	s31 =	sshll.u32 s1, $0xD;
	s1 =	sshrl.u32 s1, $0x2  }
0xb9: {  	s3 =	sand.u32 $0x4000, s31;
	s1 =	sadd.s32 s1, s30  }
0xba: {  	s0 =	sor.u32 s3, s0;
	s1 =	sshll.u32 s1, $0x11  }
0xbb: {  	s0 =	sor.u32 s1, s0  }
0xbc: {  	s0 =	sadd.s32 $0x8F2B, s0  }
0xbd: {  	[sflag:s0] =	ssyncadd.remote.s32 $0x1  }
0xbe: {  	_ =	sfence.sel $0xFFFF  }
0xbf: {  	[dreg:$0x0] =	wrdreg $0xFFFFFFFF;
	(pc) =	sbr.abs _section_cstart, $3  }
0xc0: {  	[dreg:$0x1] =	wrdreg $0xFFFFFFFF  }
0xc1: {  	_ =	task.clear_ibuf [dreg:s6], $0x2FFFF;
	_ =	strace $0x9FFFFFFF  }
0xc2: {  	(tm) =	ssettm $0x7FFFFFFF  }
0xc3: {  	_ =	shalt  }
tec
execute0_lowered:
.L_overlay_start_1:
0x0: {  	(tag) =	ssettag $0x1  }
0x1: {  	s5 =	rddreg [dreg:$0x0]  }
0x2: {  	s0 =	srdreg.scid;
	s2 =	rddreg [dreg:$0x1]  }
0x3: {  	s3 =	simm.s32 $0x0;
	s4 =	sand.u32 $0x1, s0;
	s0 =	stileid.u32  }
0x4: {  	s14 =	simm.s32 $0x80;
	s15 =	simm.s32 $0x0;
	s7 =	smul.u32 $0x14000, s0  }
0x5: {  	[smem:$0x7FF] =	sst s3;
	s1 =	sshll.u32 s4, $0x4;
	s8 =	smul.u32 $0x140000, s4  }
0x6: {  	s26 =	ssub.s32 $0x2, s4;
	s28 =	smul.u32 $0x50000, s0;
	s4 =	sadd.s32 $0xF000, s5  }
0x7: {  	s31 =	sshll.u32 s0, $0x6;
	s1 =	sor.u32 s0, s1;
	s29 =	sshrl.u32 s26, $0x1  }
0x8: {  	s6 =	smul.u32 $0x500, s1;
	s1 =	rddreg [dreg:$0x2];
	_ =	strace $0x80000047  }
0x9: {  	s9 =	sshrl.u32 s7, $0x3;
	s7 =	sadd.s32 s7, s8;
	s12 =	ssub.s32 s26, s29  }
0xa: {  	s30 =	sshrl.u32 s28, $0x2;
	s25 =	sadd.s32 s9, s5;
	s7 =	sshrl.u32 s7, $0x3  }
0xb: {  	s13 =	sadd.s32 s30, s2;
	s9 =	smax.u32 s12, $0x1;
	s12 =	simm.s32 $0x14000  }
0xc: {  	s10 =	sadd.s32 s6, s5;
	s11 =	sadd.s32 s7, s5;
	s5 =	sadd.s32 $0xF800, s25  }
0xd: {  	s6 =	sor.u32 $0x1C01, s31;
	s7 =	sadd.s32 $0x5000, s10;
	s8 =	sadd.s32 $0x37800, s11  }
0xe: {  	s10 =	sshrl.u32 s13, $0x3;
	s11 =	simm.s32 $0x1;
	s13 =	simm.s32 $0x16800  }
.LBB2_1:
0xf: {  	[spmem:s10], [sflag:s6] =	dma.local [hbm:s5], $0x2800  }
0x10: {  	_ =	swait.ge [sflag:s11], $0x2800  }
0x11: {  	[sflag:s11] =	ssyncset.done $0x0  }
0x12: {  	[sflag:s11] =	ssyncadd.s32 $0xFFFFD800  }
0x13: {  	[tilespmem:s12], [sflag:$0x1] =	stream.linear.gather [hbm4b:s7+s3], $0x2800, $0x38;
	[tilespmem:$0x1A800] =	vst v63  }
0x14: {  	_ =	swait.ge [sflag:s11], $0x2800  }
0x15: {  	[sflag:s11] =	ssyncset.done $0x0  }
0x16: {  	[sflag:s11] =	ssyncadd.s32 $0xFFFFD800  }
0x17: {  	[tilespmem:s13], [sflag:$0x1] =	stream.linear.gather [hbm4b:s4+s3], $0x4000, $0x38;
	[tilespmem:$0x1A800] =	vst v63  }
0x18: {  	_ =	swait.ge [sflag:s11], $0x4000  }
0x19: {  	[sflag:s11] =	ssyncset.done $0x0  }
0x1a: {  	[sflag:s11] =	ssyncadd.s32 $0xFFFFC000  }
0x1b: {  	s16 =	simm.s32 $0x14000;
	[bflag:$0x0] =	sbarrier.arrive $0xFFFF  }
0x1c: {  	[spmem:s2] =	stream.indirect.scatter.add.f32 [tilespmem:s13], [sflag:$0x1], $0x80, s16, s14, $0xb8;
	[tilespmem:$0x1A800] =	vst v63  }
0x1d: {  	s16 =	simm.s32 $0x200;
	_ =	swait.ge [sflag:s11], $0x4000  }
.LBB2_2:
0x1e: {  	s17 =	sshra.s32 s16, $0x2;
	[sflag:s11] =	ssyncset.done $0x0;
	p0 =	sne.s32 s16, $0x9E00  }
.Ltmp0:
0x1f: {  	s17 =	sadd.s32 $0x14000, s17;
	[sflag:s11] =	ssyncadd.s32 $0xFFFFC000;
	(pc) =	sbr.rel @p0 .LBB2_2-.Ltmp0, $3  }
0x20: {  	[spmem:s2] =	stream.indirect.scatter.add.f32 [tilespmem:s13], [sflag:$0x1], $0x80, s17, s14, $0xb8;
	[tilespmem:$0x1A800] =	vst v63  }
0x21: {  	s16 =	sadd.s32 $0x200, s16;
	_ =	sdelay $0x1  }
0x22: {  	_ =	swait.ge [sflag:s11], $0x4000  }
0x23: {  	[sflag:s11] =	ssyncset.done $0x0;
	s15 =	sadd.s32 $0x1, s15  }
0x24: {  	[sflag:s11] =	ssyncadd.s32 $0xFFFFC000;
	p0 =	sne.s32 s15, s9  }
.Ltmp1:
0x25: {  	[bflag:$0x0] =	sbarrier.arrive $0xFFFF;
	(pc) =	sbr.rel @p0 .LBB2_1-.Ltmp1, $4  }
0x26: {  	[hbm:s8], [sflag:s6] =	dma.local [spmem:s10], $0x2800  }
0x27: {  	_ =	swait.ge [sflag:s11], $0x2800  }
0x28: {  	[sflag:s11] =	ssyncset.done $0x0  }
0x29: {  	[sflag:s11] =	ssyncadd.s32 $0xFFFFD800  }
0x2a: {  	_ =	sfence.sel $0x180000  }
0x2b: {  	[bflag:$0x0] =	sbarrier.arrive $0xFFFF  }
0x2c: {  	p0 =	sne.s32 s0, $0x0;
	_ =	strace $0x90000047  }
0x2d: {  	s0 =	sadd.s32 @!p0 $0x100000, s1;
	[bflag:$0x2] =	sbarrier.arrive $0xFFFF  }
0x2e: {  	[sflag:s0] =	ssyncadd.tile.s32 @!p0 $0x1;
	_ =	shalt  }
.Lfunc_end2:
_tile_overlayer_lowered:
.L_overlay_start_2:
0x2f: {  	(tag) =	ssettag $0x2  }
0x30: {  	s0 =	rddreg [dreg:$0x0];
	s2 =	stileid.u32  }
0x31: {  	s1 =	rddreg [dreg:$0x1];
	p0 =	sne.s32 s2, $0x0  }
0x32: {  	s3 =	rddreg [dreg:$0x2];
	[bflag:$0x3] =	sbarrier.arrive $0xFFFF;
	s2 =	simm.s32 @!p0 $0x1C01  }
0x33: {  	[timem:s3], [sflag:s2] =	dma.local @!p0 [hbm:s0], s1  }
0x34: {  	s0 =	simm.s32 @!p0 $0x1  }
0x35: {  	_ =	swait.ge @!p0 [sflag:s0], s1  }
0x36: {  	s1 =	ssub.s32 @!p0 $0x0, s1;
	[sflag:s0] =	ssyncset.done @!p0 $0x0  }
0x37: {  	[sflag:s0] =	ssyncadd.s32 @!p0 s1  }
0x38: {  	[bflag:$0x3] =	sbarrier.arrive $0xFFFF  }
0x39: {  	_ =	shalt  }

// kernel: kernel.13.cloned.1.call-start
scs
__scs_entry_jumppad:
0x0: {  	(pc) =	sbr.rel $0x88, $3  }
0x1: {  	(tag) =	ssettag $0x0;
	lr =	simm.s32 $0x1  }
0x2: {  	[smem:$0x3F8D] =	sst lr;
	_ =	strace $0xD0000000  }
0x3: {  	_ = 	snop  }
0x4: {  	_ = 	snop  }
0x5: {  	_ = 	snop  }
0x6: {  	_ = 	snop  }
0x7: {  	_ = 	snop  }
__scs_overlays_trampoline_lowered:
0x8: {  	[smem:$0x3F9C] =	sst s0  }
0x9: {  	[smem:$0x3F9D] =	sst s1  }
0xa: {  	[smem:$0x3F9E] =	sst s2  }
0xb: {  	[smem:$0x3F9F] =	sst s3  }
0xc: {  	[smem:$0x3FA0] =	sst s4  }
0xd: {  	[smem:$0x3FA1] =	sst s5  }
0xe: {  	[smem:$0x3FA2] =	sst s6  }
0xf: {  	[smem:$0x3FA3] =	sst s7  }
0x10: {  	[smem:$0x3FA4] =	sst s8  }
0x11: {  	[smem:$0x3FA5] =	sst s9;
	s0 =	simm.s32 @!p0 $0x0  }
0x12: {  	s1 =	sld [smem:$0x3F8B];
	s0 =	simm.s32 @p0 $0x1  }
0x13: {  	[smem:$0x3FA6] =	sst s0;
	s0 =	simm.s32 @!p1 $0x0  }
0x14: {  	s2 =	sld [smem:$0x3F8A];
	s0 =	simm.s32 @p1 $0x1  }
0x15: {  	[smem:$0x3FA7] =	sst s0;
	s0 =	simm.s32 @!p2 $0x0  }
0x16: {  	s3 =	sld [smem:$0x3FDB];
	s0 =	simm.s32 @p2 $0x1  }
0x17: {  	s4 =	simm.s32 $0x1BF5;
	[smem:$0x3FA9] =	sst s0  }
0x18: {  	s0 =	sld [smem:$0x3F8C];
	_ =	swait.ge [sflag:s4], $0x0  }
0x19: {  	s7 =	sld [smem:$0x3F8D]  }
0x1a: {  	s8 =	sadd.s32 $0xFFFFE003, lr  }
0x1b: {  	s9 =	sadd.s32 $0xFFFFFEF7, lr;
	s5 =	simm.s32 $0xFFFFFFFF;
	p2 =	slt.u32 s8, $0xFFFFF086  }
0x1c: {  	p1 =	slt.u32 s9, $0xF7A;
	s5 =	simm.s32 @!p2 $0x0  }
0x1d: {  	s5 =	simm.s32 @p1 $0x1;
	p0 =	seq.s32 s7, s2  }
0x1e: {  	s7 =	smul.u32 @!p0 $0xF7A, s2;
	p2 =	seq.s32 @!p0 s5, $0x0  }
0x1f: {  	s9 =	smul.u32 $0xF7A, s1;
	s8 =	simm.s32 @!p0 $0x1BF5;
	p2 =	por !p2, p0  }
0x20: {  	[sflag:s8] =	ssyncset.s32 @!p0 $0xFFFFF086;
	s6 =	sadd.s32 @!p0 s3, s7;
	s7 =	simm.s32 @!p0 $0x108  }
0x21: {  	s3 =	sadd.s32 s3, s9;
	s6 =	sadd.s32 @!p0 $0x88, s6;
	s7 =	simm.s32 @p2 $0x1082  }
0x22: {  	[simem:s7], [sflag:s8] =	dma.local @!p0 [hbm:s6], $0xF7A  }
0x23: {  	s9 =	sor.u32 $0xD0000000, s2;
	s6 =	simm.s32 $0x108;
	_ =	swait.ge @!p0 [sflag:s8], $0x0  }
0x24: {  	s3 =	sadd.s32 $0x88, s3;
	s6 =	simm.s32 @!p1 $0x1082;
	[sflag:s4] =	ssyncset.s32 $0xFFFFF086  }
0x25: {  	[simem:s6], [sflag:s4] =	dma.local [hbm:s3], $0xF7A  }
0x26: {  	[smem:$0x3F8D] =	sst s1;
	(tag) =	ssettag s2;
	_ =	strace s9  }
0x27: {  	s1 =	sld [smem:$0x3F9D]  }
0x28: {  	s2 =	sld [smem:$0x3F9E]  }
0x29: {  	s4 =	sld [smem:$0x3FA0]  }
0x2a: {  	p0 =	seq.s32 s5, $0x0;
	s5 =	sld [smem:$0x3FA1]  }
0x2b: {  	s6 =	sld [smem:$0x3FA2]  }
0x2c: {  	s7 =	sld [smem:$0x3FA3]  }
0x2d: {  	s3 =	simm.s32 $0x108;
	s8 =	sld [smem:$0x3FA4]  }
0x2e: {  	s3 =	simm.s32 @!p0 $0x1082;
	s9 =	sld [smem:$0x3FA5]  }
0x2f: {  	lr =	sadd.s32 s0, s3;
	s0 =	sld [smem:$0x3F9C]  }
0x30: {  	s3 =	sld [smem:$0x3F9F]  }
0x31: {  	[smem:$0x3FA8] =	sst s10  }
0x32: {  	s10 =	sld [smem:$0x3FA6];
	_ =	sdelay $0x3  }
0x33: {  	p0 =	seq.s32 s10, $0x1;
	s10 =	sld [smem:$0x3FA8];
	_ =	sdelay $0x3  }
0x34: {  	[smem:$0x3FA8] =	sst s10  }
0x35: {  	s10 =	sld [smem:$0x3FA7];
	_ =	sdelay $0x3  }
0x36: {  	p1 =	seq.s32 s10, $0x1;
	s10 =	sld [smem:$0x3FA8];
	_ =	sdelay $0x3  }
0x37: {  	[smem:$0x3FA8] =	sst s10  }
0x38: {  	s10 =	sld [smem:$0x3FA9]  }
0x39: {  	_ = 	snop;
	(pc) =	sbr.ind lr, $3  }
0x3a: {  	_ = 	snop  }
0x3b: {  	_ = 	snop  }
0x3c: {  	p2 =	seq.s32 s10, $0x1;
	s10 =	sld [smem:$0x3FA8]  }
0x3d: {  	_ =	shalt  }
0x3e: {  	_ =	shalt  }
0x3f: {  	_ =	shalt  }
0x40: {  	_ =	shalt  }
0x41: {  	_ =	shalt  }
0x42: {  	_ =	shalt  }
0x43: {  	_ =	shalt  }
0x44: {  	_ =	shalt  }
0x45: {  	_ =	shalt  }
0x46: {  	_ =	shalt  }
0x47: {  	_ =	shalt  }
0x48: {  	_ =	shalt  }
0x49: {  	_ =	shalt  }
0x4a: {  	_ =	shalt  }
0x4b: {  	_ =	shalt  }
0x4c: {  	_ =	shalt  }
0x4d: {  	_ =	shalt  }
0x4e: {  	_ =	shalt  }
0x4f: {  	_ =	shalt  }
0x50: {  	_ =	shalt  }
0x51: {  	_ =	shalt  }
0x52: {  	_ =	shalt  }
0x53: {  	_ =	shalt  }
0x54: {  	_ =	shalt  }
0x55: {  	_ =	shalt  }
0x56: {  	_ =	shalt  }
0x57: {  	_ =	shalt  }
0x58: {  	_ =	shalt  }
0x59: {  	_ =	shalt  }
0x5a: {  	_ =	shalt  }
0x5b: {  	_ =	shalt  }
0x5c: {  	_ =	shalt  }
0x5d: {  	_ =	shalt  }
0x5e: {  	_ =	shalt  }
0x5f: {  	_ =	shalt  }
0x60: {  	_ =	shalt  }
0x61: {  	_ =	shalt  }
0x62: {  	_ =	shalt  }
0x63: {  	_ =	shalt  }
0x64: {  	_ =	shalt  }
0x65: {  	_ =	shalt  }
0x66: {  	_ =	shalt  }
0x67: {  	_ =	shalt  }
0x68: {  	_ =	shalt  }
0x69: {  	_ =	shalt  }
0x6a: {  	_ =	shalt  }
0x6b: {  	_ =	shalt  }
0x6c: {  	_ =	shalt  }
0x6d: {  	_ =	shalt  }
0x6e: {  	_ =	shalt  }
0x6f: {  	_ =	shalt  }
0x70: {  	_ =	shalt  }
0x71: {  	_ =	shalt  }
0x72: {  	_ =	shalt  }
0x73: {  	_ =	shalt  }
0x74: {  	_ =	shalt  }
0x75: {  	_ =	shalt  }
0x76: {  	_ =	shalt  }
0x77: {  	_ =	shalt  }
0x78: {  	_ =	shalt  }
0x79: {  	_ =	shalt  }
0x7a: {  	_ =	shalt  }
0x7b: {  	_ =	shalt  }
0x7c: {  	_ =	shalt  }
0x7d: {  	_ =	shalt  }
0x7e: {  	_ =	shalt  }
0x7f: {  	_ =	shalt  }
0x80: {  	_ =	shalt  }
0x81: {  	_ =	shalt  }
0x82: {  	_ =	shalt  }
0x83: {  	_ =	shalt  }
0x84: {  	_ =	shalt  }
0x85: {  	_ =	shalt  }
0x86: {  	_ =	shalt  }
0x87: {  	_ =	shalt  }
.Lfunc_end0:
.L_simem_size_0:
called_computation.1_lowered:
.L_overlay_start_0:
0x88: {  	s2 =	sld [smem:$0x3FD9]  }
0x89: {  	s3 =	sld [smem:$0x3FFE];
	_ =	sdelay $0x1  }
0x8a: {  	s1 =	srdreg.scid  }
0x8b: {  	s0 =	sand.u32 $0x1, s1  }
0x8c: {  	s17 =	sshll.u32 s0, $0xA;
	s2 =	sadd.s32 s3, s2  }
0x8d: {  	s2 =	sadd.s32 s2, s17  }
0x8e: {  	[smem:$0x3FB4] =	sst s2  }
0x8f: {  	_ = 	snop  }
0x90: {  	s2 =	sld [smem:$0x3FD0];
	(tm) =	ssettm $0x1  }
0x91: {  	s18 =	sld [smem:$0x3FFB];
	_ =	sdelay $0x3  }
0x92: {  	_ =	strace s18  }
0x93: {  	s3 =	sld [smem:$0x3FFC];
	_ =	sdelay $0x3  }
0x94: {  	_ =	strace s3  }
0x95: {  	s3 =	sld [smem:$0x3FFD];
	_ =	sdelay $0x3  }
0x96: {  	_ =	strace s3  }
0x97: {  	_ =	strace $0x8FFFFFFF  }
0x98: {  	s19 =	sld [smem:$0x3FDB];
	_ =	sdelay $0x1  }
0x99: {  	s4 =	simm.s32 $_scs_section_size  }
0x9a: {  	s5 =	simm.s32 $_size__tile_overlayer_lowered;
	s6 =	simm.s32 $_tile_overlayer_lowered  }
0x9b: {  	s22 =	simm.s32 $0x1BFF;
	s21 =	sshll.u32 s6, $0x1;
	s3 =	sadd.s32 s4, s19  }
0x9c: {  	s7 =	simm.s32 $0x0;
	s20 =	sshll.u32 s5, $0x1;
	s5 =	sadd.s32 s21, s3  }
0x9d: {  	[timem:s7], [sflag:s22] =	dma.local [hbm:s5], s20  }
0x9e: {  	_ =	swait.ge [sflag:s22], s20  }
0x9f: {  	s4 =	ssub.s32 $0x0, s20;
	[sflag:s22] =	ssyncset.done $0x0  }
0xa0: {  	[sflag:s22] =	ssyncadd.s32 s4;
	_ =	sdelay $0x1  }
0xa1: {  	s23 =	simm.s32 $0x1B8B  }
0xa2: {  	_ =	swait.ge [sflag:s23], $0x1  }
0xa3: {  	[sflag:s23] =	ssyncset.done $0x0  }
0xa4: {  	s25 =	simm.s32 $0x1B8E;
	s24 =	sld [smem:$0x3FFE];
	[sflag:s23] =	ssyncadd.s32 $0xFFFFFFFF  }
0xa5: {  	s26 =	simm.s32 $execute0_lowered;
	[smem:$0x3FD2] =	sst s25  }
0xa6: {  	s5 =	sshll.u32 s26, $0x1;
	_ =	strace $0x80000049;
	[dreg:$0x1] =	wrdreg $0xFFFFFFFF  }
0xa7: {  	s28 =	simm.s32 $_size_execute0_lowered;
	s3 =	sadd.s32 s3, s5;
	[dreg:$0x0] =	wrdreg $0x0  }
0xa8: {  	s5 =	sshll.u32 s28, $0x1;
	[dreg:$0x2] =	wrdreg s3  }
0xa9: {  	[dreg:$0x3] =	wrdreg s5  }
0xaa: {  	[dreg:$0x4] =	wrdreg $0xC0  }
0xab: {  	_ =	task [dreg:s7], $0x5FFFF  }
0xac: {  	[dreg:$0x1] =	wrdreg $0xFFFFFFFF  }
0xad: {  	[dreg:$0x0] =	wrdreg $0x60  }
0xae: {  	[dreg:$0x2] =	wrdreg s24  }
0xaf: {  	[dreg:$0x3] =	wrdreg s2  }
0xb0: {  	[dreg:$0x4] =	wrdreg $0x0  }
0xb1: {  	[dreg:$0x5] =	wrdreg $0x9  }
0xb2: {  	_ =	task.clear_ibuf [dreg:s7], $0x6FFFF;
	_ =	strace $0x90000049  }
0xb3: {  	s29 =	simm.s32 $0x9;
	_ =	strace $0x8000004B  }
0xb4: {  	_ =	swait.ge [sflag:s29], $0x1  }
0xb5: {  	[sflag:s29] =	ssyncadd.s32 $0xFFFFFFFF  }
0xb6: {  	_ =	strace $0x9000004B  }
0xb7: {  	_ =	sfence  }
0xb8: {  	s30 =	sld [smem:$0x0];
	_ =	sdelay $0x2  }
0xb9: {  	s31 =	sshll.u32 s1, $0xD;
	s1 =	sshrl.u32 s1, $0x2  }
0xba: {  	s3 =	sand.u32 $0x4000, s31;
	s1 =	sadd.s32 s1, s30  }
0xbb: {  	s0 =	sor.u32 s3, s0;
	s1 =	sshll.u32 s1, $0x11  }
0xbc: {  	s0 =	sor.u32 s1, s0  }
0xbd: {  	s0 =	sadd.s32 $0x8F2B, s0  }
0xbe: {  	[sflag:s0] =	ssyncadd.remote.s32 $0x1  }
0xbf: {  	_ =	sfence.sel $0xFFFF  }
0xc0: {  	[dreg:$0x0] =	wrdreg $0xFFFFFFFF;
	(pc) =	sbr.abs _section_cstart, $3  }
0xc1: {  	[dreg:$0x1] =	wrdreg $0xFFFFFFFF  }
0xc2: {  	_ =	task.clear_ibuf [dreg:s7], $0x2FFFF;
	_ =	strace $0x9FFFFFFF  }
0xc3: {  	(tm) =	ssettm $0x7FFFFFFF  }
tec
execute0_lowered:
.L_overlay_start_1:
0x0: {  	(tag) =	ssettag $0x1  }
0x1: {  	s5 =	rddreg [dreg:$0x0]  }
0x2: {  	s7 =	rddreg [dreg:$0x1]  }
0x3: {  	s2 =	rddreg [dreg:$0x2]  }
0x4: {  	s0 =	rddreg [dreg:$0x3]  }
0x5: {  	s4 =	srdreg.scid;
	s1 =	stileid.u32  }
0x6: {  	s3 =	simm.s32 $0x0;
	s14 =	simm.s32 $0x16800;
	s15 =	simm.s32 $0x80  }
0x7: {  	s16 =	simm.s32 $0x19000;
	s17 =	simm.s32 $0x1;
	s18 =	simm.s32 $0x0  }
0x8: {  	s6 =	sand.u32 $0x1, s4;
	s8 =	smul.u32 $0x14000, s1;
	[smem:$0x7FF] =	sst s3  }
0x9: {  	s4 =	sadd.s32 $0xF000, s5;
	s12 =	smul.u32 $0x50000, s1;
	s31 =	sshll.u32 s1, $0x6  }
0xa: {  	s9 =	sshll.u32 s6, $0x4;
	s10 =	smul.u32 $0x140000, s6;
	s6 =	ssub.s32 $0x2, s6  }
0xb: {  	_ =	strace $0x8000004A;
	s9 =	sor.u32 s1, s9;
	s11 =	sshrl.u32 s6, $0x1  }
0xc: {  	s29 =	sshrl.u32 s12, $0x2;
	s30 =	sshrl.u32 s8, $0x3;
	s9 =	smul.u32 $0x500, s9  }
0xd: {  	s10 =	sadd.s32 s8, s10;
	s11 =	ssub.s32 s6, s11;
	s12 =	sadd.s32 s29, s2  }
0xe: {  	s6 =	sor.u32 $0x1C02, s31;
	s10 =	sshrl.u32 s10, $0x3;
	s13 =	sadd.s32 s9, s5  }
0xf: {  	s10 =	sadd.s32 s10, s5;
	s5 =	sadd.s32 s4, s30;
	s7 =	sadd.s32 s7, s9  }
0x10: {  	s8 =	sadd.s32 $0x5000, s13;
	s9 =	sadd.s32 $0x87800, s10;
	s10 =	smax.u32 s11, $0x1  }
0x11: {  	s11 =	sshrl.u32 s12, $0x3;
	s12 =	simm.s32 $0x2;
	s13 =	simm.s32 $0x14000  }
.LBB2_1:
0x12: {  	[spmem:s11], [sflag:s6] =	dma.local [hbm:s5], $0x2800  }
0x13: {  	_ =	swait.ge [sflag:s12], $0x2800  }
0x14: {  	[sflag:s12] =	ssyncset.done $0x0  }
0x15: {  	[sflag:s12] =	ssyncadd.s32 $0xFFFFD800  }
0x16: {  	[tilespmem:s13], [sflag:$0x2] =	stream.linear.gather [hbm4b:s7+s3], $0x2800, $0x38;
	[tilespmem:$0x1D000] =	vst v63  }
0x17: {  	_ =	swait.ge [sflag:s12], $0x2800  }
0x18: {  	[sflag:s12] =	ssyncset.done $0x0  }
0x19: {  	[sflag:s12] =	ssyncadd.s32 $0xFFFFD800  }
0x1a: {  	[tilespmem:s14], [sflag:$0x2] =	stream.linear.gather [hbm4b:s8+s3], $0x2800, $0x38;
	[tilespmem:$0x1D000] =	vst v63  }
0x1b: {  	_ =	swait.ge [sflag:s12], $0x2800  }
0x1c: {  	[sflag:s12] =	ssyncset.done $0x0  }
0x1d: {  	[sflag:s12] =	ssyncadd.s32 $0xFFFFD800  }
0x1e: {  	s19 =	simm.s32 $0x14000;
	[bflag:$0x0] =	sbarrier.arrive $0xFFFF  }
0x1f: {  	[tilespmem:s16], [sflag:$0x1] =	stream.indirect.gather [hbm4b:s4+s15], $0x80, s19, s15, $0xb8;
	[tilespmem:$0x1D000] =	vst v63  }
0x20: {  	_ =	swait.ge [sflag:s17], $0x4000  }
0x21: {  	[sflag:s17] =	ssyncset.done $0x0  }
0x22: {  	s31 =	simm.s32 $0x16800;
	[sflag:s17] =	ssyncadd.s32 $0xFFFFC000  }
0x23: {  	[spmem:s2] =	stream.indirect.scatter.add.f32 [tilespmem:s16], [sflag:$0x2], $0x80, s31, s15, $0xb8;
	[tilespmem:$0x1D000] =	vst v63  }
0x24: {  	_ =	swait.ge [sflag:s12], $0x4000  }
0x25: {  	s20 =	simm.s32 $0x400;
	s19 =	simm.s32 $0x80;
	[sflag:s12] =	ssyncset.done $0x0  }
.LBB2_2:
0x26: {  	s21 =	sadd.s32 $0x14000, s19  }
0x27: {  	[sflag:s12] =	ssyncadd.s32 $0xFFFFC000;
	s22 =	smov.u32 s20;
	s23 =	sadd.s32 $0x200, s20  }
0x28: {  	[tilespmem:s16], [sflag:$0x1] =	stream.indirect.gather [hbm4b:s4+s15], $0x80, s21, s15, $0xb8;
	[tilespmem:$0x1D000] =	vst v63  }
0x29: {  	p0 =	sne.s32 s20, $0x9E00;
	_ =	swait.ge [sflag:s17], $0x4000  }
.Ltmp0:
0x2a: {  	[sflag:s17] =	ssyncset.done $0x0;
	(pc) =	sbr.rel @p0 .LBB2_2-.Ltmp0, $4  }
0x2b: {  	s19 =	sadd.s32 $0x16800, s19;
	[sflag:s17] =	ssyncadd.s32 $0xFFFFC000  }
0x2c: {  	[spmem:s2] =	stream.indirect.scatter.add.f32 [tilespmem:s16], [sflag:$0x2], $0x80, s19, s15, $0xb8;
	[tilespmem:$0x1D000] =	vst v63  }
0x2d: {  	_ =	swait.ge [sflag:s12], $0x4000  }
0x2e: {  	s20 =	smov.u32 s23;
	s19 =	sshra.s32 s22, $0x2;
	[sflag:s12] =	ssyncset.done $0x0  }
0x2f: {  	s20 =	sadd.s32 $0x14000, s19;
	[sflag:s12] =	ssyncadd.s32 $0xFFFFC000  }
0x30: {  	[tilespmem:s16], [sflag:$0x1] =	stream.indirect.gather [hbm4b:s4+s15], $0x80, s20, s15, $0xb8;
	[tilespmem:$0x1D000] =	vst v63  }
0x31: {  	_ =	swait.ge [sflag:s17], $0x4000  }
0x32: {  	[sflag:s17] =	ssyncset.done $0x0  }
0x33: {  	s31 =	sadd.s32 $0x16800, s19;
	[sflag:s17] =	ssyncadd.s32 $0xFFFFC000  }
0x34: {  	[spmem:s2] =	stream.indirect.scatter.add.f32 [tilespmem:s16], [sflag:$0x2], $0x80, s31, s15, $0xb8;
	[tilespmem:$0x1D000] =	vst v63  }
0x35: {  	_ =	swait.ge [sflag:s12], $0x4000  }
0x36: {  	s18 =	sadd.s32 $0x1, s18;
	[sflag:s12] =	ssyncset.done $0x0  }
0x37: {  	p0 =	sne.s32 s18, s10;
	[sflag:s12] =	ssyncadd.s32 $0xFFFFC000  }
.Ltmp1:
0x38: {  	[bflag:$0x0] =	sbarrier.arrive $0xFFFF;
	(pc) =	sbr.rel @p0 .LBB2_1-.Ltmp1, $4  }
0x39: {  	[hbm:s9], [sflag:s6] =	dma.local [spmem:s11], $0x2800  }
0x3a: {  	_ =	swait.ge [sflag:s12], $0x2800  }
0x3b: {  	[sflag:s12] =	ssyncset.done $0x0  }
0x3c: {  	[sflag:s12] =	ssyncadd.s32 $0xFFFFD800  }
0x3d: {  	_ =	sfence.sel $0x180000  }
0x3e: {  	[bflag:$0x0] =	sbarrier.arrive $0xFFFF  }
0x3f: {  	p0 =	sne.s32 s1, $0x0;
	_ =	strace $0x9000004A  }
0x40: {  	s0 =	sadd.s32 @!p0 $0x100000, s0;
	[bflag:$0x2] =	sbarrier.arrive $0xFFFF  }
0x41: {  	[sflag:s0] =	ssyncadd.tile.s32 @!p0 $0x1;
	_ =	shalt  }
.Lfunc_end2:
_tile_overlayer_lowered:
.L_overlay_start_2:
0x42: {  	(tag) =	ssettag $0x2  }
0x43: {  	s0 =	rddreg [dreg:$0x0];
	s2 =	stileid.u32  }
0x44: {  	s1 =	rddreg [dreg:$0x1];
	p0 =	sne.s32 s2, $0x0  }
0x45: {  	s3 =	rddreg [dreg:$0x2];
	[bflag:$0x3] =	sbarrier.arrive $0xFFFF;
	s2 =	simm.s32 @!p0 $0x1C02  }
0x46: {  	[timem:s3], [sflag:s2] =	dma.local @!p0 [hbm:s0], s1  }
0x47: {  	s0 =	simm.s32 @!p0 $0x2  }
0x48: {  	_ =	swait.ge @!p0 [sflag:s0], s1  }
0x49: {  	s1 =	ssub.s32 @!p0 $0x0, s1;
	[sflag:s0] =	ssyncset.done @!p0 $0x0  }
0x4a: {  	[sflag:s0] =	ssyncadd.s32 @!p0 s1  }
0x4b: {  	[bflag:$0x3] =	sbarrier.arrive $0xFFFF  }
0x4c: {  	_ =	shalt  }

// kernel: kernel.16.cloned.1.call-start
scs
__scs_entry_jumppad:
0x0: {  	(pc) =	sbr.rel $0x88, $3  }
0x1: {  	(tag) =	ssettag $0x0;
	lr =	simm.s32 $0x1  }
0x2: {  	[smem:$0x3F8D] =	sst lr;
	_ =	strace $0xD0000000  }
0x3: {  	_ = 	snop  }
0x4: {  	_ = 	snop  }
0x5: {  	_ = 	snop  }
0x6: {  	_ = 	snop  }
0x7: {  	_ = 	snop  }
__scs_overlays_trampoline_lowered:
0x8: {  	[smem:$0x3F9C] =	sst s0  }
0x9: {  	[smem:$0x3F9D] =	sst s1  }
0xa: {  	[smem:$0x3F9E] =	sst s2  }
0xb: {  	[smem:$0x3F9F] =	sst s3  }
0xc: {  	[smem:$0x3FA0] =	sst s4  }
0xd: {  	[smem:$0x3FA1] =	sst s5  }
0xe: {  	[smem:$0x3FA2] =	sst s6  }
0xf: {  	[smem:$0x3FA3] =	sst s7  }
0x10: {  	[smem:$0x3FA4] =	sst s8  }
0x11: {  	[smem:$0x3FA5] =	sst s9;
	s0 =	simm.s32 @!p0 $0x0  }
0x12: {  	s1 =	sld [smem:$0x3F8B];
	s0 =	simm.s32 @p0 $0x1  }
0x13: {  	[smem:$0x3FA6] =	sst s0;
	s0 =	simm.s32 @!p1 $0x0  }
0x14: {  	s2 =	sld [smem:$0x3F8A];
	s0 =	simm.s32 @p1 $0x1  }
0x15: {  	[smem:$0x3FA7] =	sst s0;
	s0 =	simm.s32 @!p2 $0x0  }
0x16: {  	s3 =	sld [smem:$0x3FDB];
	s0 =	simm.s32 @p2 $0x1  }
0x17: {  	s4 =	simm.s32 $0x1BF5;
	[smem:$0x3FA9] =	sst s0  }
0x18: {  	s0 =	sld [smem:$0x3F8C];
	_ =	swait.ge [sflag:s4], $0x0  }
0x19: {  	s7 =	sld [smem:$0x3F8D]  }
0x1a: {  	s8 =	sadd.s32 $0xFFFFE003, lr  }
0x1b: {  	s9 =	sadd.s32 $0xFFFFFEF7, lr;
	s5 =	simm.s32 $0xFFFFFFFF;
	p2 =	slt.u32 s8, $0xFFFFF086  }
0x1c: {  	p1 =	slt.u32 s9, $0xF7A;
	s5 =	simm.s32 @!p2 $0x0  }
0x1d: {  	s5 =	simm.s32 @p1 $0x1;
	p0 =	seq.s32 s7, s2  }
0x1e: {  	s7 =	smul.u32 @!p0 $0xF7A, s2;
	p2 =	seq.s32 @!p0 s5, $0x0  }
0x1f: {  	s9 =	smul.u32 $0xF7A, s1;
	s8 =	simm.s32 @!p0 $0x1BF5;
	p2 =	por !p2, p0  }
0x20: {  	[sflag:s8] =	ssyncset.s32 @!p0 $0xFFFFF086;
	s6 =	sadd.s32 @!p0 s3, s7;
	s7 =	simm.s32 @!p0 $0x108  }
0x21: {  	s3 =	sadd.s32 s3, s9;
	s6 =	sadd.s32 @!p0 $0x88, s6;
	s7 =	simm.s32 @p2 $0x1082  }
0x22: {  	[simem:s7], [sflag:s8] =	dma.local @!p0 [hbm:s6], $0xF7A  }
0x23: {  	s9 =	sor.u32 $0xD0000000, s2;
	s6 =	simm.s32 $0x108;
	_ =	swait.ge @!p0 [sflag:s8], $0x0  }
0x24: {  	s3 =	sadd.s32 $0x88, s3;
	s6 =	simm.s32 @!p1 $0x1082;
	[sflag:s4] =	ssyncset.s32 $0xFFFFF086  }
0x25: {  	[simem:s6], [sflag:s4] =	dma.local [hbm:s3], $0xF7A  }
0x26: {  	[smem:$0x3F8D] =	sst s1;
	(tag) =	ssettag s2;
	_ =	strace s9  }
0x27: {  	s1 =	sld [smem:$0x3F9D]  }
0x28: {  	s2 =	sld [smem:$0x3F9E]  }
0x29: {  	s4 =	sld [smem:$0x3FA0]  }
0x2a: {  	p0 =	seq.s32 s5, $0x0;
	s5 =	sld [smem:$0x3FA1]  }
0x2b: {  	s6 =	sld [smem:$0x3FA2]  }
0x2c: {  	s7 =	sld [smem:$0x3FA3]  }
0x2d: {  	s3 =	simm.s32 $0x108;
	s8 =	sld [smem:$0x3FA4]  }
0x2e: {  	s3 =	simm.s32 @!p0 $0x1082;
	s9 =	sld [smem:$0x3FA5]  }
0x2f: {  	lr =	sadd.s32 s0, s3;
	s0 =	sld [smem:$0x3F9C]  }
0x30: {  	s3 =	sld [smem:$0x3F9F]  }
0x31: {  	[smem:$0x3FA8] =	sst s10  }
0x32: {  	s10 =	sld [smem:$0x3FA6];
	_ =	sdelay $0x3  }
0x33: {  	p0 =	seq.s32 s10, $0x1;
	s10 =	sld [smem:$0x3FA8];
	_ =	sdelay $0x3  }
0x34: {  	[smem:$0x3FA8] =	sst s10  }
0x35: {  	s10 =	sld [smem:$0x3FA7];
	_ =	sdelay $0x3  }
0x36: {  	p1 =	seq.s32 s10, $0x1;
	s10 =	sld [smem:$0x3FA8];
	_ =	sdelay $0x3  }
0x37: {  	[smem:$0x3FA8] =	sst s10  }
0x38: {  	s10 =	sld [smem:$0x3FA9]  }
0x39: {  	_ = 	snop;
	(pc) =	sbr.ind lr, $3  }
0x3a: {  	_ = 	snop  }
0x3b: {  	_ = 	snop  }
0x3c: {  	p2 =	seq.s32 s10, $0x1;
	s10 =	sld [smem:$0x3FA8]  }
0x3d: {  	_ =	shalt  }
0x3e: {  	_ =	shalt  }
0x3f: {  	_ =	shalt  }
0x40: {  	_ =	shalt  }
0x41: {  	_ =	shalt  }
0x42: {  	_ =	shalt  }
0x43: {  	_ =	shalt  }
0x44: {  	_ =	shalt  }
0x45: {  	_ =	shalt  }
0x46: {  	_ =	shalt  }
0x47: {  	_ =	shalt  }
0x48: {  	_ =	shalt  }
0x49: {  	_ =	shalt  }
0x4a: {  	_ =	shalt  }
0x4b: {  	_ =	shalt  }
0x4c: {  	_ =	shalt  }
0x4d: {  	_ =	shalt  }
0x4e: {  	_ =	shalt  }
0x4f: {  	_ =	shalt  }
0x50: {  	_ =	shalt  }
0x51: {  	_ =	shalt  }
0x52: {  	_ =	shalt  }
0x53: {  	_ =	shalt  }
0x54: {  	_ =	shalt  }
0x55: {  	_ =	shalt  }
0x56: {  	_ =	shalt  }
0x57: {  	_ =	shalt  }
0x58: {  	_ =	shalt  }
0x59: {  	_ =	shalt  }
0x5a: {  	_ =	shalt  }
0x5b: {  	_ =	shalt  }
0x5c: {  	_ =	shalt  }
0x5d: {  	_ =	shalt  }
0x5e: {  	_ =	shalt  }
0x5f: {  	_ =	shalt  }
0x60: {  	_ =	shalt  }
0x61: {  	_ =	shalt  }
0x62: {  	_ =	shalt  }
0x63: {  	_ =	shalt  }
0x64: {  	_ =	shalt  }
0x65: {  	_ =	shalt  }
0x66: {  	_ =	shalt  }
0x67: {  	_ =	shalt  }
0x68: {  	_ =	shalt  }
0x69: {  	_ =	shalt  }
0x6a: {  	_ =	shalt  }
0x6b: {  	_ =	shalt  }
0x6c: {  	_ =	shalt  }
0x6d: {  	_ =	shalt  }
0x6e: {  	_ =	shalt  }
0x6f: {  	_ =	shalt  }
0x70: {  	_ =	shalt  }
0x71: {  	_ =	shalt  }
0x72: {  	_ =	shalt  }
0x73: {  	_ =	shalt  }
0x74: {  	_ =	shalt  }
0x75: {  	_ =	shalt  }
0x76: {  	_ =	shalt  }
0x77: {  	_ =	shalt  }
0x78: {  	_ =	shalt  }
0x79: {  	_ =	shalt  }
0x7a: {  	_ =	shalt  }
0x7b: {  	_ =	shalt  }
0x7c: {  	_ =	shalt  }
0x7d: {  	_ =	shalt  }
0x7e: {  	_ =	shalt  }
0x7f: {  	_ =	shalt  }
0x80: {  	_ =	shalt  }
0x81: {  	_ =	shalt  }
0x82: {  	_ =	shalt  }
0x83: {  	_ =	shalt  }
0x84: {  	_ =	shalt  }
0x85: {  	_ =	shalt  }
0x86: {  	_ =	shalt  }
0x87: {  	_ =	shalt  }
.Lfunc_end0:
.L_simem_size_0:
called_computation.2_lowered:
.L_overlay_start_0:
0x88: {  	s2 =	sld [smem:$0x3FD9]  }
0x89: {  	s3 =	sld [smem:$0x3FFE];
	_ =	sdelay $0x1  }
0x8a: {  	s1 =	srdreg.scid  }
0x8b: {  	s0 =	sand.u32 $0x1, s1  }
0x8c: {  	s17 =	sshll.u32 s0, $0xA;
	s2 =	sadd.s32 s3, s2  }
0x8d: {  	s2 =	sadd.s32 s2, s17  }
0x8e: {  	[smem:$0x3FB4] =	sst s2  }
0x8f: {  	_ = 	snop  }
0x90: {  	s2 =	sld [smem:$0x3FD0];
	(tm) =	ssettm $0x1  }
0x91: {  	s18 =	sld [smem:$0x3FFB];
	_ =	sdelay $0x3  }
0x92: {  	_ =	strace s18  }
0x93: {  	s3 =	sld [smem:$0x3FFC];
	_ =	sdelay $0x3  }
0x94: {  	_ =	strace s3  }
0x95: {  	s3 =	sld [smem:$0x3FFD];
	_ =	sdelay $0x3  }
0x96: {  	_ =	strace s3  }
0x97: {  	_ =	strace $0x8FFFFFFF  }
0x98: {  	s19 =	sld [smem:$0x3FDB];
	_ =	sdelay $0x1  }
0x99: {  	s4 =	simm.s32 $_scs_section_size  }
0x9a: {  	s5 =	simm.s32 $_size__tile_overlayer_lowered;
	s6 =	simm.s32 $_tile_overlayer_lowered  }
0x9b: {  	s22 =	simm.s32 $0x1BFF;
	s21 =	sshll.u32 s6, $0x1;
	s3 =	sadd.s32 s4, s19  }
0x9c: {  	s7 =	simm.s32 $0x0;
	s20 =	sshll.u32 s5, $0x1;
	s5 =	sadd.s32 s21, s3  }
0x9d: {  	[timem:s7], [sflag:s22] =	dma.local [hbm:s5], s20  }
0x9e: {  	_ =	swait.ge [sflag:s22], s20  }
0x9f: {  	s4 =	ssub.s32 $0x0, s20;
	[sflag:s22] =	ssyncset.done $0x0  }
0xa0: {  	[sflag:s22] =	ssyncadd.s32 s4;
	_ =	sdelay $0x1  }
0xa1: {  	s23 =	simm.s32 $0x1B8B  }
0xa2: {  	_ =	swait.ge [sflag:s23], $0x1  }
0xa3: {  	[sflag:s23] =	ssyncset.done $0x0  }
0xa4: {  	s25 =	simm.s32 $0x1B8E;
	s24 =	sld [smem:$0x3FFE];
	[sflag:s23] =	ssyncadd.s32 $0xFFFFFFFF  }
0xa5: {  	s26 =	simm.s32 $execute0_lowered;
	[smem:$0x3FD2] =	sst s25  }
0xa6: {  	s5 =	sshll.u32 s26, $0x1;
	_ =	strace $0x8000004C;
	[dreg:$0x1] =	wrdreg $0xFFFFFFFF  }
0xa7: {  	s28 =	simm.s32 $_size_execute0_lowered;
	s3 =	sadd.s32 s3, s5;
	[dreg:$0x0] =	wrdreg $0x0  }
0xa8: {  	s5 =	sshll.u32 s28, $0x1;
	[dreg:$0x2] =	wrdreg s3  }
0xa9: {  	[dreg:$0x3] =	wrdreg s5  }
0xaa: {  	[dreg:$0x4] =	wrdreg $0xC0  }
0xab: {  	_ =	task [dreg:s7], $0x5FFFF  }
0xac: {  	[dreg:$0x1] =	wrdreg $0xFFFFFFFF  }
0xad: {  	[dreg:$0x0] =	wrdreg $0x60  }
0xae: {  	[dreg:$0x2] =	wrdreg s24  }
0xaf: {  	[dreg:$0x3] =	wrdreg s2  }
0xb0: {  	[dreg:$0x4] =	wrdreg $0x0  }
0xb1: {  	[dreg:$0x5] =	wrdreg $0x9  }
0xb2: {  	_ =	task.clear_ibuf [dreg:s7], $0x6FFFF;
	_ =	strace $0x9000004C  }
0xb3: {  	s29 =	simm.s32 $0x9;
	_ =	strace $0x8000004E  }
0xb4: {  	_ =	swait.ge [sflag:s29], $0x1  }
0xb5: {  	[sflag:s29] =	ssyncadd.s32 $0xFFFFFFFF  }
0xb6: {  	_ =	strace $0x9000004E  }
0xb7: {  	_ =	sfence  }
0xb8: {  	s30 =	sld [smem:$0x0];
	_ =	sdelay $0x2  }
0xb9: {  	s31 =	sshll.u32 s1, $0xD;
	s1 =	sshrl.u32 s1, $0x2  }
0xba: {  	s3 =	sand.u32 $0x4000, s31;
	s1 =	sadd.s32 s1, s30  }
0xbb: {  	s0 =	sor.u32 s3, s0;
	s1 =	sshll.u32 s1, $0x11  }
0xbc: {  	s0 =	sor.u32 s1, s0  }
0xbd: {  	s0 =	sadd.s32 $0x8F2B, s0  }
0xbe: {  	[sflag:s0] =	ssyncadd.remote.s32 $0x1  }
0xbf: {  	_ =	sfence.sel $0xFFFF  }
0xc0: {  	[dreg:$0x0] =	wrdreg $0xFFFFFFFF;
	(pc) =	sbr.abs _section_cstart, $3  }
0xc1: {  	[dreg:$0x1] =	wrdreg $0xFFFFFFFF  }
0xc2: {  	_ =	task.clear_ibuf [dreg:s7], $0x2FFFF;
	_ =	strace $0x9FFFFFFF  }
0xc3: {  	(tm) =	ssettm $0x7FFFFFFF  }
tec
execute0_lowered:
.L_overlay_start_1:
0x0: {  	(tag) =	ssettag $0x1  }
0x1: {  	s5 =	rddreg [dreg:$0x0]  }
0x2: {  	s7 =	rddreg [dreg:$0x1]  }
0x3: {  	s2 =	rddreg [dreg:$0x2]  }
0x4: {  	s0 =	rddreg [dreg:$0x3]  }
0x5: {  	s4 =	srdreg.scid;
	s1 =	stileid.u32  }
0x6: {  	s3 =	simm.s32 $0x0;
	s14 =	simm.s32 $0x16800;
	s15 =	simm.s32 $0x80  }
0x7: {  	s16 =	simm.s32 $0x19000;
	s17 =	simm.s32 $0x1;
	s18 =	simm.s32 $0x0  }
0x8: {  	s6 =	sand.u32 $0x1, s4;
	s8 =	smul.u32 $0x14000, s1;
	[smem:$0x7FF] =	sst s3  }
0x9: {  	s4 =	sadd.s32 $0xF000, s5;
	s12 =	smul.u32 $0x50000, s1;
	s31 =	sshll.u32 s1, $0x6  }
0xa: {  	s9 =	sshll.u32 s6, $0x4;
	s10 =	smul.u32 $0x140000, s6;
	s6 =	ssub.s32 $0x2, s6  }
0xb: {  	_ =	strace $0x8000004D;
	s9 =	sor.u32 s1, s9;
	s11 =	sshrl.u32 s6, $0x1  }
0xc: {  	s29 =	sshrl.u32 s12, $0x2;
	s30 =	sshrl.u32 s8, $0x3;
	s9 =	smul.u32 $0x500, s9  }
0xd: {  	s10 =	sadd.s32 s8, s10;
	s11 =	ssub.s32 s6, s11;
	s12 =	sadd.s32 s29, s2  }
0xe: {  	s6 =	sor.u32 $0x1C02, s31;
	s10 =	sshrl.u32 s10, $0x3;
	s13 =	sadd.s32 s9, s5  }
0xf: {  	s10 =	sadd.s32 s10, s5;
	s5 =	sadd.s32 s4, s30;
	s7 =	sadd.s32 s7, s9  }
0x10: {  	s8 =	sadd.s32 $0x5000, s13;
	s9 =	sadd.s32 $0x87800, s10;
	s10 =	smax.u32 s11, $0x1  }
0x11: {  	s11 =	sshrl.u32 s12, $0x3;
	s12 =	simm.s32 $0x2;
	s13 =	simm.s32 $0x14000  }
.LBB2_1:
0x12: {  	[spmem:s11], [sflag:s6] =	dma.local [hbm:s5], $0x2800  }
0x13: {  	_ =	swait.ge [sflag:s12], $0x2800  }
0x14: {  	[sflag:s12] =	ssyncset.done $0x0  }
0x15: {  	[sflag:s12] =	ssyncadd.s32 $0xFFFFD800  }
0x16: {  	[tilespmem:s13], [sflag:$0x2] =	stream.linear.gather [hbm4b:s7+s3], $0x2800, $0x38;
	[tilespmem:$0x1D000] =	vst v63  }
0x17: {  	_ =	swait.ge [sflag:s12], $0x2800  }
0x18: {  	[sflag:s12] =	ssyncset.done $0x0  }
0x19: {  	[sflag:s12] =	ssyncadd.s32 $0xFFFFD800  }
0x1a: {  	[tilespmem:s14], [sflag:$0x2] =	stream.linear.gather [hbm4b:s8+s3], $0x2800, $0x38;
	[tilespmem:$0x1D000] =	vst v63  }
0x1b: {  	_ =	swait.ge [sflag:s12], $0x2800  }
0x1c: {  	[sflag:s12] =	ssyncset.done $0x0  }
0x1d: {  	[sflag:s12] =	ssyncadd.s32 $0xFFFFD800  }
0x1e: {  	s19 =	simm.s32 $0x14000;
	[bflag:$0x0] =	sbarrier.arrive $0xFFFF  }
0x1f: {  	[tilespmem:s16], [sflag:$0x1] =	stream.indirect.gather [hbm4b:s4+s15], $0x80, s19, s15, $0xb8;
	[tilespmem:$0x1D000] =	vst v63  }
0x20: {  	_ =	swait.ge [sflag:s17], $0x4000  }
0x21: {  	[sflag:s17] =	ssyncset.done $0x0  }
0x22: {  	s31 =	simm.s32 $0x16800;
	[sflag:s17] =	ssyncadd.s32 $0xFFFFC000  }
0x23: {  	[spmem:s2] =	stream.indirect.scatter.add.f32 [tilespmem:s16], [sflag:$0x2], $0x80, s31, s15, $0xb8;
	[tilespmem:$0x1D000] =	vst v63  }
0x24: {  	_ =	swait.ge [sflag:s12], $0x4000  }
0x25: {  	s20 =	simm.s32 $0x400;
	s19 =	simm.s32 $0x80;
	[sflag:s12] =	ssyncset.done $0x0  }
.LBB2_2:
0x26: {  	s21 =	sadd.s32 $0x14000, s19  }
0x27: {  	[sflag:s12] =	ssyncadd.s32 $0xFFFFC000;
	s22 =	smov.u32 s20;
	s23 =	sadd.s32 $0x200, s20  }
0x28: {  	[tilespmem:s16], [sflag:$0x1] =	stream.indirect.gather [hbm4b:s4+s15], $0x80, s21, s15, $0xb8;
	[tilespmem:$0x1D000] =	vst v63  }
0x29: {  	p0 =	sne.s32 s20, $0x9E00;
	_ =	swait.ge [sflag:s17], $0x4000  }
.Ltmp0:
0x2a: {  	[sflag:s17] =	ssyncset.done $0x0;
	(pc) =	sbr.rel @p0 .LBB2_2-.Ltmp0, $4  }
0x2b: {  	s19 =	sadd.s32 $0x16800, s19;
	[sflag:s17] =	ssyncadd.s32 $0xFFFFC000  }
0x2c: {  	[spmem:s2] =	stream.indirect.scatter.add.f32 [tilespmem:s16], [sflag:$0x2], $0x80, s19, s15, $0xb8;
	[tilespmem:$0x1D000] =	vst v63  }
0x2d: {  	_ =	swait.ge [sflag:s12], $0x4000  }
0x2e: {  	s20 =	smov.u32 s23;
	s19 =	sshra.s32 s22, $0x2;
	[sflag:s12] =	ssyncset.done $0x0  }
0x2f: {  	s20 =	sadd.s32 $0x14000, s19;
	[sflag:s12] =	ssyncadd.s32 $0xFFFFC000  }
0x30: {  	[tilespmem:s16], [sflag:$0x1] =	stream.indirect.gather [hbm4b:s4+s15], $0x80, s20, s15, $0xb8;
	[tilespmem:$0x1D000] =	vst v63  }
0x31: {  	_ =	swait.ge [sflag:s17], $0x4000  }
0x32: {  	[sflag:s17] =	ssyncset.done $0x0  }
0x33: {  	s31 =	sadd.s32 $0x16800, s19;
	[sflag:s17] =	ssyncadd.s32 $0xFFFFC000  }
0x34: {  	[spmem:s2] =	stream.indirect.scatter.add.f32 [tilespmem:s16], [sflag:$0x2], $0x80, s31, s15, $0xb8;
	[tilespmem:$0x1D000] =	vst v63  }
0x35: {  	_ =	swait.ge [sflag:s12], $0x4000  }
0x36: {  	s18 =	sadd.s32 $0x1, s18;
	[sflag:s12] =	ssyncset.done $0x0  }
0x37: {  	p0 =	sne.s32 s18, s10;
	[sflag:s12] =	ssyncadd.s32 $0xFFFFC000  }
.Ltmp1:
0x38: {  	[bflag:$0x0] =	sbarrier.arrive $0xFFFF;
	(pc) =	sbr.rel @p0 .LBB2_1-.Ltmp1, $4  }
0x39: {  	[hbm:s9], [sflag:s6] =	dma.local [spmem:s11], $0x2800  }
0x3a: {  	_ =	swait.ge [sflag:s12], $0x2800  }
0x3b: {  	[sflag:s12] =	ssyncset.done $0x0  }
0x3c: {  	[sflag:s12] =	ssyncadd.s32 $0xFFFFD800  }
0x3d: {  	_ =	sfence.sel $0x180000  }
0x3e: {  	[bflag:$0x0] =	sbarrier.arrive $0xFFFF  }
0x3f: {  	p0 =	sne.s32 s1, $0x0;
	_ =	strace $0x9000004D  }
0x40: {  	s0 =	sadd.s32 @!p0 $0x100000, s0;
	[bflag:$0x2] =	sbarrier.arrive $0xFFFF  }
0x41: {  	[sflag:s0] =	ssyncadd.tile.s32 @!p0 $0x1;
	_ =	shalt  }
.Lfunc_end2:
_tile_overlayer_lowered:
.L_overlay_start_2:
0x42: {  	(tag) =	ssettag $0x2  }
0x43: {  	s0 =	rddreg [dreg:$0x0];
	s2 =	stileid.u32  }
0x44: {  	s1 =	rddreg [dreg:$0x1];
	p0 =	sne.s32 s2, $0x0  }
0x45: {  	s3 =	rddreg [dreg:$0x2];
	[bflag:$0x3] =	sbarrier.arrive $0xFFFF;
	s2 =	simm.s32 @!p0 $0x1C02  }
0x46: {  	[timem:s3], [sflag:s2] =	dma.local @!p0 [hbm:s0], s1  }
0x47: {  	s0 =	simm.s32 @!p0 $0x2  }
0x48: {  	_ =	swait.ge @!p0 [sflag:s0], s1  }
0x49: {  	s1 =	ssub.s32 @!p0 $0x0, s1;
	[sflag:s0] =	ssyncset.done @!p0 $0x0  }
0x4a: {  	[sflag:s0] =	ssyncadd.s32 @!p0 s1  }
0x4b: {  	[bflag:$0x3] =	sbarrier.arrive $0xFFFF  }
0x4c: {  	_ =	shalt  }

// kernel: kernel.19.cloned.1.call-start
scs
__scs_entry_jumppad:
0x0: {  	(pc) =	sbr.rel $0x88, $3  }
0x1: {  	(tag) =	ssettag $0x0;
	lr =	simm.s32 $0x1  }
0x2: {  	[smem:$0x3F8D] =	sst lr;
	_ =	strace $0xD0000000  }
0x3: {  	_ = 	snop  }
0x4: {  	_ = 	snop  }
0x5: {  	_ = 	snop  }
0x6: {  	_ = 	snop  }
0x7: {  	_ = 	snop  }
__scs_overlays_trampoline_lowered:
0x8: {  	[smem:$0x3F9C] =	sst s0  }
0x9: {  	[smem:$0x3F9D] =	sst s1  }
0xa: {  	[smem:$0x3F9E] =	sst s2  }
0xb: {  	[smem:$0x3F9F] =	sst s3  }
0xc: {  	[smem:$0x3FA0] =	sst s4  }
0xd: {  	[smem:$0x3FA1] =	sst s5  }
0xe: {  	[smem:$0x3FA2] =	sst s6  }
0xf: {  	[smem:$0x3FA3] =	sst s7  }
0x10: {  	[smem:$0x3FA4] =	sst s8  }
0x11: {  	[smem:$0x3FA5] =	sst s9;
	s0 =	simm.s32 @!p0 $0x0  }
0x12: {  	s1 =	sld [smem:$0x3F8B];
	s0 =	simm.s32 @p0 $0x1  }
0x13: {  	[smem:$0x3FA6] =	sst s0;
	s0 =	simm.s32 @!p1 $0x0  }
0x14: {  	s2 =	sld [smem:$0x3F8A];
	s0 =	simm.s32 @p1 $0x1  }
0x15: {  	[smem:$0x3FA7] =	sst s0;
	s0 =	simm.s32 @!p2 $0x0  }
0x16: {  	s3 =	sld [smem:$0x3FDB];
	s0 =	simm.s32 @p2 $0x1  }
0x17: {  	s4 =	simm.s32 $0x1BF5;
	[smem:$0x3FA9] =	sst s0  }
0x18: {  	s0 =	sld [smem:$0x3F8C];
	_ =	swait.ge [sflag:s4], $0x0  }
0x19: {  	s7 =	sld [smem:$0x3F8D]  }
0x1a: {  	s8 =	sadd.s32 $0xFFFFE003, lr  }
0x1b: {  	s9 =	sadd.s32 $0xFFFFFEF7, lr;
	s5 =	simm.s32 $0xFFFFFFFF;
	p2 =	slt.u32 s8, $0xFFFFF086  }
0x1c: {  	p1 =	slt.u32 s9, $0xF7A;
	s5 =	simm.s32 @!p2 $0x0  }
0x1d: {  	s5 =	simm.s32 @p1 $0x1;
	p0 =	seq.s32 s7, s2  }
0x1e: {  	s7 =	smul.u32 @!p0 $0xF7A, s2;
	p2 =	seq.s32 @!p0 s5, $0x0  }
0x1f: {  	s9 =	smul.u32 $0xF7A, s1;
	s8 =	simm.s32 @!p0 $0x1BF5;
	p2 =	por !p2, p0  }
0x20: {  	[sflag:s8] =	ssyncset.s32 @!p0 $0xFFFFF086;
	s6 =	sadd.s32 @!p0 s3, s7;
	s7 =	simm.s32 @!p0 $0x108  }
0x21: {  	s3 =	sadd.s32 s3, s9;
	s6 =	sadd.s32 @!p0 $0x88, s6;
	s7 =	simm.s32 @p2 $0x1082  }
0x22: {  	[simem:s7], [sflag:s8] =	dma.local @!p0 [hbm:s6], $0xF7A  }
0x23: {  	s9 =	sor.u32 $0xD0000000, s2;
	s6 =	simm.s32 $0x108;
	_ =	swait.ge @!p0 [sflag:s8], $0x0  }
0x24: {  	s3 =	sadd.s32 $0x88, s3;
	s6 =	simm.s32 @!p1 $0x1082;
	[sflag:s4] =	ssyncset.s32 $0xFFFFF086  }
0x25: {  	[simem:s6], [sflag:s4] =	dma.local [hbm:s3], $0xF7A  }
0x26: {  	[smem:$0x3F8D] =	sst s1;
	(tag) =	ssettag s2;
	_ =	strace s9  }
0x27: {  	s1 =	sld [smem:$0x3F9D]  }
0x28: {  	s2 =	sld [smem:$0x3F9E]  }
0x29: {  	s4 =	sld [smem:$0x3FA0]  }
0x2a: {  	p0 =	seq.s32 s5, $0x0;
	s5 =	sld [smem:$0x3FA1]  }
0x2b: {  	s6 =	sld [smem:$0x3FA2]  }
0x2c: {  	s7 =	sld [smem:$0x3FA3]  }
0x2d: {  	s3 =	simm.s32 $0x108;
	s8 =	sld [smem:$0x3FA4]  }
0x2e: {  	s3 =	simm.s32 @!p0 $0x1082;
	s9 =	sld [smem:$0x3FA5]  }
0x2f: {  	lr =	sadd.s32 s0, s3;
	s0 =	sld [smem:$0x3F9C]  }
0x30: {  	s3 =	sld [smem:$0x3F9F]  }
0x31: {  	[smem:$0x3FA8] =	sst s10  }
0x32: {  	s10 =	sld [smem:$0x3FA6];
	_ =	sdelay $0x3  }
0x33: {  	p0 =	seq.s32 s10, $0x1;
	s10 =	sld [smem:$0x3FA8];
	_ =	sdelay $0x3  }
0x34: {  	[smem:$0x3FA8] =	sst s10  }
0x35: {  	s10 =	sld [smem:$0x3FA7];
	_ =	sdelay $0x3  }
0x36: {  	p1 =	seq.s32 s10, $0x1;
	s10 =	sld [smem:$0x3FA8];
	_ =	sdelay $0x3  }
0x37: {  	[smem:$0x3FA8] =	sst s10  }
0x38: {  	s10 =	sld [smem:$0x3FA9]  }
0x39: {  	_ = 	snop;
	(pc) =	sbr.ind lr, $3  }
0x3a: {  	_ = 	snop  }
0x3b: {  	_ = 	snop  }
0x3c: {  	p2 =	seq.s32 s10, $0x1;
	s10 =	sld [smem:$0x3FA8]  }
0x3d: {  	_ =	shalt  }
0x3e: {  	_ =	shalt  }
0x3f: {  	_ =	shalt  }
0x40: {  	_ =	shalt  }
0x41: {  	_ =	shalt  }
0x42: {  	_ =	shalt  }
0x43: {  	_ =	shalt  }
0x44: {  	_ =	shalt  }
0x45: {  	_ =	shalt  }
0x46: {  	_ =	shalt  }
0x47: {  	_ =	shalt  }
0x48: {  	_ =	shalt  }
0x49: {  	_ =	shalt  }
0x4a: {  	_ =	shalt  }
0x4b: {  	_ =	shalt  }
0x4c: {  	_ =	shalt  }
0x4d: {  	_ =	shalt  }
0x4e: {  	_ =	shalt  }
0x4f: {  	_ =	shalt  }
0x50: {  	_ =	shalt  }
0x51: {  	_ =	shalt  }
0x52: {  	_ =	shalt  }
0x53: {  	_ =	shalt  }
0x54: {  	_ =	shalt  }
0x55: {  	_ =	shalt  }
0x56: {  	_ =	shalt  }
0x57: {  	_ =	shalt  }
0x58: {  	_ =	shalt  }
0x59: {  	_ =	shalt  }
0x5a: {  	_ =	shalt  }
0x5b: {  	_ =	shalt  }
0x5c: {  	_ =	shalt  }
0x5d: {  	_ =	shalt  }
0x5e: {  	_ =	shalt  }
0x5f: {  	_ =	shalt  }
0x60: {  	_ =	shalt  }
0x61: {  	_ =	shalt  }
0x62: {  	_ =	shalt  }
0x63: {  	_ =	shalt  }
0x64: {  	_ =	shalt  }
0x65: {  	_ =	shalt  }
0x66: {  	_ =	shalt  }
0x67: {  	_ =	shalt  }
0x68: {  	_ =	shalt  }
0x69: {  	_ =	shalt  }
0x6a: {  	_ =	shalt  }
0x6b: {  	_ =	shalt  }
0x6c: {  	_ =	shalt  }
0x6d: {  	_ =	shalt  }
0x6e: {  	_ =	shalt  }
0x6f: {  	_ =	shalt  }
0x70: {  	_ =	shalt  }
0x71: {  	_ =	shalt  }
0x72: {  	_ =	shalt  }
0x73: {  	_ =	shalt  }
0x74: {  	_ =	shalt  }
0x75: {  	_ =	shalt  }
0x76: {  	_ =	shalt  }
0x77: {  	_ =	shalt  }
0x78: {  	_ =	shalt  }
0x79: {  	_ =	shalt  }
0x7a: {  	_ =	shalt  }
0x7b: {  	_ =	shalt  }
0x7c: {  	_ =	shalt  }
0x7d: {  	_ =	shalt  }
0x7e: {  	_ =	shalt  }
0x7f: {  	_ =	shalt  }
0x80: {  	_ =	shalt  }
0x81: {  	_ =	shalt  }
0x82: {  	_ =	shalt  }
0x83: {  	_ =	shalt  }
0x84: {  	_ =	shalt  }
0x85: {  	_ =	shalt  }
0x86: {  	_ =	shalt  }
0x87: {  	_ =	shalt  }
.Lfunc_end0:
.L_simem_size_0:
called_computation.3_lowered:
.L_overlay_start_0:
0x88: {  	s2 =	sld [smem:$0x3FD9]  }
0x89: {  	s3 =	sld [smem:$0x3FFE];
	_ =	sdelay $0x1  }
0x8a: {  	s1 =	srdreg.scid  }
0x8b: {  	s0 =	sand.u32 $0x1, s1  }
0x8c: {  	s17 =	sshll.u32 s0, $0xA;
	s2 =	sadd.s32 s3, s2  }
0x8d: {  	s2 =	sadd.s32 s2, s17  }
0x8e: {  	[smem:$0x3FB4] =	sst s2  }
0x8f: {  	_ = 	snop  }
0x90: {  	s2 =	sld [smem:$0x3FD0];
	(tm) =	ssettm $0x1  }
0x91: {  	s18 =	sld [smem:$0x3FFB];
	_ =	sdelay $0x3  }
0x92: {  	_ =	strace s18  }
0x93: {  	s3 =	sld [smem:$0x3FFC];
	_ =	sdelay $0x3  }
0x94: {  	_ =	strace s3  }
0x95: {  	s3 =	sld [smem:$0x3FFD];
	_ =	sdelay $0x3  }
0x96: {  	_ =	strace s3  }
0x97: {  	_ =	strace $0x8FFFFFFF  }
0x98: {  	s19 =	sld [smem:$0x3FDB];
	_ =	sdelay $0x1  }
0x99: {  	s4 =	simm.s32 $_scs_section_size  }
0x9a: {  	s5 =	simm.s32 $_size__tile_overlayer_lowered;
	s6 =	simm.s32 $_tile_overlayer_lowered  }
0x9b: {  	s22 =	simm.s32 $0x1BFF;
	s21 =	sshll.u32 s6, $0x1;
	s3 =	sadd.s32 s4, s19  }
0x9c: {  	s7 =	simm.s32 $0x0;
	s20 =	sshll.u32 s5, $0x1;
	s5 =	sadd.s32 s21, s3  }
0x9d: {  	[timem:s7], [sflag:s22] =	dma.local [hbm:s5], s20  }
0x9e: {  	_ =	swait.ge [sflag:s22], s20  }
0x9f: {  	s4 =	ssub.s32 $0x0, s20;
	[sflag:s22] =	ssyncset.done $0x0  }
0xa0: {  	[sflag:s22] =	ssyncadd.s32 s4;
	_ =	sdelay $0x1  }
0xa1: {  	s23 =	simm.s32 $0x1B8B  }
0xa2: {  	_ =	swait.ge [sflag:s23], $0x1  }
0xa3: {  	[sflag:s23] =	ssyncset.done $0x0  }
0xa4: {  	s25 =	simm.s32 $0x1B8E;
	s24 =	sld [smem:$0x3FFE];
	[sflag:s23] =	ssyncadd.s32 $0xFFFFFFFF  }
0xa5: {  	s26 =	simm.s32 $execute0_lowered;
	[smem:$0x3FD2] =	sst s25  }
0xa6: {  	s5 =	sshll.u32 s26, $0x1;
	_ =	strace $0x8000004F;
	[dreg:$0x1] =	wrdreg $0xFFFFFFFF  }
0xa7: {  	s28 =	simm.s32 $_size_execute0_lowered;
	s3 =	sadd.s32 s3, s5;
	[dreg:$0x0] =	wrdreg $0x0  }
0xa8: {  	s5 =	sshll.u32 s28, $0x1;
	[dreg:$0x2] =	wrdreg s3  }
0xa9: {  	[dreg:$0x3] =	wrdreg s5  }
0xaa: {  	[dreg:$0x4] =	wrdreg $0xC0  }
0xab: {  	_ =	task [dreg:s7], $0x5FFFF  }
0xac: {  	[dreg:$0x1] =	wrdreg $0xFFFFFFFF  }
0xad: {  	[dreg:$0x0] =	wrdreg $0x60  }
0xae: {  	[dreg:$0x2] =	wrdreg s24  }
0xaf: {  	[dreg:$0x3] =	wrdreg s2  }
0xb0: {  	[dreg:$0x4] =	wrdreg $0x0  }
0xb1: {  	[dreg:$0x5] =	wrdreg $0x9  }
0xb2: {  	_ =	task.clear_ibuf [dreg:s7], $0x6FFFF;
	_ =	strace $0x9000004F  }
0xb3: {  	s29 =	simm.s32 $0x9;
	_ =	strace $0x80000051  }
0xb4: {  	_ =	swait.ge [sflag:s29], $0x1  }
0xb5: {  	[sflag:s29] =	ssyncadd.s32 $0xFFFFFFFF  }
0xb6: {  	_ =	strace $0x90000051  }
0xb7: {  	_ =	sfence  }
0xb8: {  	s30 =	sld [smem:$0x0];
	_ =	sdelay $0x2  }
0xb9: {  	s31 =	sshll.u32 s1, $0xD;
	s1 =	sshrl.u32 s1, $0x2  }
0xba: {  	s3 =	sand.u32 $0x4000, s31;
	s1 =	sadd.s32 s1, s30  }
0xbb: {  	s0 =	sor.u32 s3, s0;
	s1 =	sshll.u32 s1, $0x11  }
0xbc: {  	s0 =	sor.u32 s1, s0  }
0xbd: {  	s0 =	sadd.s32 $0x8F2B, s0  }
0xbe: {  	[sflag:s0] =	ssyncadd.remote.s32 $0x1  }
0xbf: {  	_ =	sfence.sel $0xFFFF  }
0xc0: {  	[dreg:$0x0] =	wrdreg $0xFFFFFFFF;
	(pc) =	sbr.abs _section_cstart, $3  }
0xc1: {  	[dreg:$0x1] =	wrdreg $0xFFFFFFFF  }
0xc2: {  	_ =	task.clear_ibuf [dreg:s7], $0x2FFFF;
	_ =	strace $0x9FFFFFFF  }
0xc3: {  	(tm) =	ssettm $0x7FFFFFFF  }
tec
execute0_lowered:
.L_overlay_start_1:
0x0: {  	(tag) =	ssettag $0x1  }
0x1: {  	s5 =	rddreg [dreg:$0x0]  }
0x2: {  	s7 =	rddreg [dreg:$0x1]  }
0x3: {  	s2 =	rddreg [dreg:$0x2]  }
0x4: {  	s0 =	rddreg [dreg:$0x3]  }
0x5: {  	s4 =	srdreg.scid;
	s1 =	stileid.u32  }
0x6: {  	s3 =	simm.s32 $0x0;
	s14 =	simm.s32 $0x16800;
	s15 =	simm.s32 $0x80  }
0x7: {  	s16 =	simm.s32 $0x19000;
	s17 =	simm.s32 $0x1;
	s18 =	simm.s32 $0x0  }
0x8: {  	s6 =	sand.u32 $0x1, s4;
	s8 =	smul.u32 $0x14000, s1;
	[smem:$0x7FF] =	sst s3  }
0x9: {  	s4 =	sadd.s32 $0xF000, s5;
	s12 =	smul.u32 $0x50000, s1;
	s31 =	sshll.u32 s1, $0x6  }
0xa: {  	s9 =	sshll.u32 s6, $0x4;
	s10 =	smul.u32 $0x140000, s6;
	s6 =	ssub.s32 $0x2, s6  }
0xb: {  	_ =	strace $0x80000050;
	s9 =	sor.u32 s1, s9;
	s11 =	sshrl.u32 s6, $0x1  }
0xc: {  	s29 =	sshrl.u32 s12, $0x2;
	s30 =	sshrl.u32 s8, $0x3;
	s9 =	smul.u32 $0x500, s9  }
0xd: {  	s10 =	sadd.s32 s8, s10;
	s11 =	ssub.s32 s6, s11;
	s12 =	sadd.s32 s29, s2  }
0xe: {  	s6 =	sor.u32 $0x1C02, s31;
	s10 =	sshrl.u32 s10, $0x3;
	s13 =	sadd.s32 s9, s5  }
0xf: {  	s10 =	sadd.s32 s10, s5;
	s5 =	sadd.s32 s4, s30;
	s7 =	sadd.s32 s7, s9  }
0x10: {  	s8 =	sadd.s32 $0x5000, s13;
	s9 =	sadd.s32 $0x87800, s10;
	s10 =	smax.u32 s11, $0x1  }
0x11: {  	s11 =	sshrl.u32 s12, $0x3;
	s12 =	simm.s32 $0x2;
	s13 =	simm.s32 $0x14000  }
.LBB2_1:
0x12: {  	[spmem:s11], [sflag:s6] =	dma.local [hbm:s5], $0x2800  }
0x13: {  	_ =	swait.ge [sflag:s12], $0x2800  }
0x14: {  	[sflag:s12] =	ssyncset.done $0x0  }
0x15: {  	[sflag:s12] =	ssyncadd.s32 $0xFFFFD800  }
0x16: {  	[tilespmem:s13], [sflag:$0x2] =	stream.linear.gather [hbm4b:s7+s3], $0x2800, $0x38;
	[tilespmem:$0x1D000] =	vst v63  }
0x17: {  	_ =	swait.ge [sflag:s12], $0x2800  }
0x18: {  	[sflag:s12] =	ssyncset.done $0x0  }
0x19: {  	[sflag:s12] =	ssyncadd.s32 $0xFFFFD800  }
0x1a: {  	[tilespmem:s14], [sflag:$0x2] =	stream.linear.gather [hbm4b:s8+s3], $0x2800, $0x38;
	[tilespmem:$0x1D000] =	vst v63  }
0x1b: {  	_ =	swait.ge [sflag:s12], $0x2800  }
0x1c: {  	[sflag:s12] =	ssyncset.done $0x0  }
0x1d: {  	[sflag:s12] =	ssyncadd.s32 $0xFFFFD800  }
0x1e: {  	s19 =	simm.s32 $0x14000;
	[bflag:$0x0] =	sbarrier.arrive $0xFFFF  }
0x1f: {  	[tilespmem:s16], [sflag:$0x1] =	stream.indirect.gather [hbm4b:s4+s15], $0x80, s19, s15, $0xb8;
	[tilespmem:$0x1D000] =	vst v63  }
0x20: {  	_ =	swait.ge [sflag:s17], $0x4000  }
0x21: {  	[sflag:s17] =	ssyncset.done $0x0  }
0x22: {  	s31 =	simm.s32 $0x16800;
	[sflag:s17] =	ssyncadd.s32 $0xFFFFC000  }
0x23: {  	[spmem:s2] =	stream.indirect.scatter.add.f32 [tilespmem:s16], [sflag:$0x2], $0x80, s31, s15, $0xb8;
	[tilespmem:$0x1D000] =	vst v63  }
0x24: {  	_ =	swait.ge [sflag:s12], $0x4000  }
0x25: {  	s20 =	simm.s32 $0x400;
	s19 =	simm.s32 $0x80;
	[sflag:s12] =	ssyncset.done $0x0  }
.LBB2_2:
0x26: {  	s21 =	sadd.s32 $0x14000, s19  }
0x27: {  	[sflag:s12] =	ssyncadd.s32 $0xFFFFC000;
	s22 =	smov.u32 s20;
	s23 =	sadd.s32 $0x200, s20  }
0x28: {  	[tilespmem:s16], [sflag:$0x1] =	stream.indirect.gather [hbm4b:s4+s15], $0x80, s21, s15, $0xb8;
	[tilespmem:$0x1D000] =	vst v63  }
0x29: {  	p0 =	sne.s32 s20, $0x9E00;
	_ =	swait.ge [sflag:s17], $0x4000  }
.Ltmp0:
0x2a: {  	[sflag:s17] =	ssyncset.done $0x0;
	(pc) =	sbr.rel @p0 .LBB2_2-.Ltmp0, $4  }
0x2b: {  	s19 =	sadd.s32 $0x16800, s19;
	[sflag:s17] =	ssyncadd.s32 $0xFFFFC000  }
0x2c: {  	[spmem:s2] =	stream.indirect.scatter.add.f32 [tilespmem:s16], [sflag:$0x2], $0x80, s19, s15, $0xb8;
	[tilespmem:$0x1D000] =	vst v63  }
0x2d: {  	_ =	swait.ge [sflag:s12], $0x4000  }
0x2e: {  	s20 =	smov.u32 s23;
	s19 =	sshra.s32 s22, $0x2;
	[sflag:s12] =	ssyncset.done $0x0  }
0x2f: {  	s20 =	sadd.s32 $0x14000, s19;
	[sflag:s12] =	ssyncadd.s32 $0xFFFFC000  }
0x30: {  	[tilespmem:s16], [sflag:$0x1] =	stream.indirect.gather [hbm4b:s4+s15], $0x80, s20, s15, $0xb8;
	[tilespmem:$0x1D000] =	vst v63  }
0x31: {  	_ =	swait.ge [sflag:s17], $0x4000  }
0x32: {  	[sflag:s17] =	ssyncset.done $0x0  }
0x33: {  	s31 =	sadd.s32 $0x16800, s19;
	[sflag:s17] =	ssyncadd.s32 $0xFFFFC000  }
0x34: {  	[spmem:s2] =	stream.indirect.scatter.add.f32 [tilespmem:s16], [sflag:$0x2], $0x80, s31, s15, $0xb8;
	[tilespmem:$0x1D000] =	vst v63  }
0x35: {  	_ =	swait.ge [sflag:s12], $0x4000  }
0x36: {  	s18 =	sadd.s32 $0x1, s18;
	[sflag:s12] =	ssyncset.done $0x0  }
0x37: {  	p0 =	sne.s32 s18, s10;
	[sflag:s12] =	ssyncadd.s32 $0xFFFFC000  }
.Ltmp1:
0x38: {  	[bflag:$0x0] =	sbarrier.arrive $0xFFFF;
	(pc) =	sbr.rel @p0 .LBB2_1-.Ltmp1, $4  }
0x39: {  	[hbm:s9], [sflag:s6] =	dma.local [spmem:s11], $0x2800  }
0x3a: {  	_ =	swait.ge [sflag:s12], $0x2800  }
0x3b: {  	[sflag:s12] =	ssyncset.done $0x0  }
0x3c: {  	[sflag:s12] =	ssyncadd.s32 $0xFFFFD800  }
0x3d: {  	_ =	sfence.sel $0x180000  }
0x3e: {  	[bflag:$0x0] =	sbarrier.arrive $0xFFFF  }
0x3f: {  	p0 =	sne.s32 s1, $0x0;
	_ =	strace $0x90000050  }
0x40: {  	s0 =	sadd.s32 @!p0 $0x100000, s0;
	[bflag:$0x2] =	sbarrier.arrive $0xFFFF  }
0x41: {  	[sflag:s0] =	ssyncadd.tile.s32 @!p0 $0x1;
	_ =	shalt  }
.Lfunc_end2:
_tile_overlayer_lowered:
.L_overlay_start_2:
0x42: {  	(tag) =	ssettag $0x2  }
0x43: {  	s0 =	rddreg [dreg:$0x0];
	s2 =	stileid.u32  }
0x44: {  	s1 =	rddreg [dreg:$0x1];
	p0 =	sne.s32 s2, $0x0  }
0x45: {  	s3 =	rddreg [dreg:$0x2];
	[bflag:$0x3] =	sbarrier.arrive $0xFFFF;
	s2 =	simm.s32 @!p0 $0x1C02  }
0x46: {  	[timem:s3], [sflag:s2] =	dma.local @!p0 [hbm:s0], s1  }
0x47: {  	s0 =	simm.s32 @!p0 $0x2  }
0x48: {  	_ =	swait.ge @!p0 [sflag:s0], s1  }
0x49: {  	s1 =	ssub.s32 @!p0 $0x0, s1;
	[sflag:s0] =	ssyncset.done @!p0 $0x0  }
0x4a: {  	[sflag:s0] =	ssyncadd.s32 @!p0 s1  }
0x4b: {  	[bflag:$0x3] =	sbarrier.arrive $0xFFFF  }
0x4c: {  	_ =	shalt  }

</sc_bundles>
